<compile_context>
chip_gen: v7x
topology: tpu7x:2x2x1
jax: 0.10.2.dev20260603
libtpu: 0.0.44.dev20260713+nightly
codegen_flags: <defaults>
</compile_context>

<pallas_src>
import functools

import jax
import jax.numpy as jnp
from jax import lax
from jax.experimental import pallas as pl
from jax.experimental.pallas import tpu as pltpu
from jax.experimental.pallas import tpu_sc as plsc

N_NODES = 10000
D = 128
N_EDGES = 320000

NC = 2
NS = 16
NW = NC * NS

CHUNK = 128
NCHUNK = 79
EPW = NCHUNK * CHUNK
NPAD = 10240
RPT = NPAD // NS
LANES = 16


def _sc_aggregate(x, srcs, tgts):
    mesh = plsc.VectorSubcoreMesh(
        core_axis_name="c", subcore_axis_name="s", num_cores=NC,
        num_subcores=NS)

    @functools.partial(
        pl.kernel,
        out_type=(
            jax.ShapeDtypeStruct((NC, NPAD, D), jnp.float32),
            jax.ShapeDtypeStruct((NC, NPAD), jnp.float32),
        ),
        mesh=mesh,
        scratch_types=[
            pltpu.VMEM_SHARED((NPAD, D), jnp.float32),
            pltpu.VMEM_SHARED((NPAD,), jnp.float32),
            pltpu.VMEM((NCHUNK, CHUNK), jnp.int32),
            pltpu.VMEM((NCHUNK, CHUNK), jnp.int32),
            pltpu.VMEM((CHUNK, D), jnp.float32),
            pltpu.VMEM((RPT,), jnp.float32),
            pltpu.VMEM((CHUNK,), jnp.float32),
            pltpu.SemaphoreType.DMA,
        ],
    )
    def k(x_hbm, srcs_hbm, tgts_hbm, pagg_hbm, pcnt_hbm,
          agg_sh, cnt_sh, src_v, tgt_v, rows_v, zc_v, ones_v, sem):
        c = lax.axis_index("c")
        s = lax.axis_index("s")
        wid = c * NS + s
        base = s * RPT

        def zero_row(i, _):
            for kk in range(D // LANES):
                rows_v[i, pl.ds(kk * LANES, LANES)] = jnp.zeros(
                    (LANES,), jnp.float32)
            return ()
        lax.fori_loop(0, CHUNK, zero_row, ())
        for kk in range(RPT // LANES):
            zc_v[pl.ds(kk * LANES, LANES)] = jnp.zeros((LANES,), jnp.float32)
        for kk in range(CHUNK // LANES):
            ones_v[pl.ds(kk * LANES, LANES)] = jnp.ones((LANES,), jnp.float32)

        for kk in range(RPT // CHUNK):
            pltpu.sync_copy(rows_v,
                            agg_sh.at[pl.ds(base + kk * CHUNK, CHUNK), :])
        pltpu.sync_copy(zc_v, cnt_sh.at[pl.ds(base, RPT)])

        pltpu.sync_copy(srcs_hbm.at[wid], src_v)
        pltpu.sync_copy(tgts_hbm.at[wid], tgt_v)

        plsc.subcore_barrier()

        def step(j, _):
            cp = pltpu.async_copy(x_hbm.at[tgt_v.at[j]], rows_v, sem)
            pltpu.sync_copy(ones_v, cnt_sh.at[src_v.at[j]], add=True)
            cp.wait()
            pltpu.sync_copy(rows_v, agg_sh.at[src_v.at[j]], add=True)
            return ()
        lax.fori_loop(0, NCHUNK, step, ())

        plsc.subcore_barrier()

        pltpu.sync_copy(agg_sh.at[pl.ds(base, RPT), :],
                        pagg_hbm.at[c, pl.ds(base, RPT), :])
        pltpu.sync_copy(cnt_sh.at[pl.ds(base, RPT)],
                        pcnt_hbm.at[c, pl.ds(base, RPT)])

    return k(x, srcs, tgts)


BLK = 1024


def _tc_body(pa_ref, pc_ref, w_ref, b_ref, o_ref):
    a = pa_ref[0] + pa_ref[1]
    cnt = pc_ref[0] + pc_ref[1] + 1e-6
    a = a / cnt[:, None]
    o_ref[...] = lax.dot_general(
        a, w_ref[...], (((1,), (1,)), ((), ())),
        preferred_element_type=jnp.float32) + b_ref[...]


def _tc_linear(pagg, pcnt, W, b):
    return pl.pallas_call(
        _tc_body,
        grid=(NPAD // BLK,),
        in_specs=[
            pl.BlockSpec((NC, BLK, D), lambda i: (0, i, 0)),
            pl.BlockSpec((NC, BLK), lambda i: (0, i)),
            pl.BlockSpec((D, D), lambda i: (0, 0)),
            pl.BlockSpec((1, D), lambda i: (0, 0)),
        ],
        out_specs=pl.BlockSpec((BLK, D), lambda i: (i, 0)),
        out_shape=jax.ShapeDtypeStruct((NPAD, D), jnp.float32),
    )(pagg, pcnt, W, b)


def kernel(x, edge_index, W, b):
    src = edge_index[0]
    tgt = edge_index[1]
    pad = NW * EPW - N_EDGES
    src_p = jnp.concatenate(
        [src, jnp.full((pad,), N_NODES, dtype=jnp.int32)])
    tgt_p = jnp.concatenate([tgt, jnp.zeros((pad,), dtype=jnp.int32)])
    srcs = src_p.reshape(NW, NCHUNK, CHUNK)
    tgts = tgt_p.reshape(NW, NCHUNK, CHUNK)
    x2 = jnp.concatenate([x, x], axis=0)
    tgts = tgts + jnp.where(
        jnp.arange(NW, dtype=jnp.int32)[:, None, None] >= NS, N_NODES, 0)

    pagg, pcnt = _sc_aggregate(x2, srcs, tgts)
    out = _tc_linear(pagg, pcnt, W, b.reshape(1, D))
    return out[:N_NODES]

# --- scband reference (transcript-rebuilt; emitter-appended) ---
"""Pipeline reference for scband-graph-convolution-5222680232054 (READ-ONLY COPY).

The authoritative reference and input builder live on the scoring server;
editing this copy changes nothing except your own understanding.
"""

import jax, jax.numpy as jnp
import numpy as np

N_NODES = 10000
N_EDGES = 320000
D_FEAT = 128


def setup_inputs(seed: int = 0) -> dict:
    key = jax.random.key(seed)
    k1, k2, k3, k4 = jax.random.split(key, 4)
    x = jax.random.normal(k1, (N_NODES, D_FEAT), dtype=jnp.float32)
    edge_index = jax.random.randint(k2, (2, N_EDGES), 0, N_NODES, dtype=jnp.int32)
    # nn.Linear(in_channels=128, out_channels=128): weight [out, in], bias [out]
    bound = 1.0 / np.sqrt(D_FEAT)
    W = jax.random.uniform(k3, (D_FEAT, D_FEAT), dtype=jnp.float32, minval=-bound, maxval=bound)
    b = jax.random.uniform(k4, (D_FEAT,), dtype=jnp.float32, minval=-bound, maxval=bound)
    return {"x": x, "edge_index": edge_index, "W": W, "b": b}


def reference(x, edge_index, W, b):
    N = x.shape[0]
    src = edge_index[0]
    tgt = edge_index[1]
    # agg.index_add_(0, src, x[tgt])  -> scatter-add of gathered neighbor features
    agg = jnp.zeros_like(x).at[src].add(x[tgt])
    # counts = bincount(src, minlength=N) + 1e-6
    counts = jnp.bincount(src, length=N).astype(jnp.float32)[:, None] + 1e-06
    agg = agg / counts
    # linear transform: out = agg @ W.T + b
    out = agg @ W.T + b
    return out

if __name__ == "__main__":
    import jax
    _d = setup_inputs()
    print(jax.jit(kernel)(*tuple(_d.values())))

</pallas_src>

<mosaic_0001>
#map = affine_map<(d0, d1) -> (0, 0)>
#map1 = affine_map<(d0, d1) -> (0, 0, 0)>
module attributes {stable_mosaic.version = 14 : i64} {
  func.func @k(%arg0: i32, %arg1: i32, %arg2: memref<20000x128xf32, #tpu.memory_space<hbm>>, %arg3: memref<32x79x128xi32, #tpu.memory_space<hbm>>, %arg4: memref<32x79x128xi32, #tpu.memory_space<hbm>>, %arg5: memref<2x10240x128xf32, #tpu.memory_space<hbm>>, %arg6: memref<2x10240xf32, #tpu.memory_space<hbm>>, %arg7: memref<10240x128xf32, #tpu.memory_space<vmem_shared>>, %arg8: memref<10240xf32, #tpu.memory_space<vmem_shared>>, %arg9: memref<79x128xi32, #tpu.memory_space<vmem>>, %arg10: memref<79x128xi32, #tpu.memory_space<vmem>>, %arg11: memref<128x128xf32, #tpu.memory_space<vmem>>, %arg12: memref<640xf32, #tpu.memory_space<vmem>>, %arg13: memref<128xf32, #tpu.memory_space<vmem>>, %arg14: memref<!tpu.dma_semaphore, #tpu.memory_space<semaphore_mem>>) attributes {dimension_semantics = [#tpu.dimension_semantics<core_parallel>, #tpu.dimension_semantics<subcore_parallel>], iteration_bounds = array<i64: 2, 16>, scalar_prefetch = 0 : i64, scratch_operands = 8 : i64, tpu.core_type = #tpu.core_type<sc_vector_subcore>, window_params = [{transform_indices = #map}, {transform_indices = #map1}, {transform_indices = #map1}, {transform_indices = #map1}, {transform_indices = #map}]} {
    %mul3A = arith.constant 16 : i32
    %mul3A_0 = arith.muli %arg0, %mul3A : i32
    %add3A = arith.addi %mul3A_0, %arg1 : i32
    %mul3A_1 = arith.constant 640 : i32
    %mul3A_2 = arith.muli %arg1, %mul3A_1 : i32
    %scan3A = arith.constant 0 : i32
    %scan3A_3 = arith.constant 128 : i32
    %scan3A_4 = arith.addi %scan3A, %scan3A_3 : i32
    %scan3A_5 = arith.constant 1 : i32
    scf.for %scan3A_309 = %scan3A to %scan3A_4 step %scan3A_5  : i32 {
      %broadcast_in_dim3A_310 = arith.constant 0.000000e+00 : f32
      %broadcast_in_dim3A_311 = vector.broadcast %broadcast_in_dim3A_310 : f32 to vector<16xf32>
      %swap3A_312 = arith.index_cast %scan3A_309 : i32 to index
      %swap3A_313 = arith.constant 0 : index
      %swap3A_314 = tpu.vector_load %arg11[%swap3A_312, %swap3A_313] {strides = array<i32>} : memref<128x128xf32, #tpu.memory_space<vmem>>, vector<1x16xf32>,
      %swap3A_315 = vector.shape_cast %swap3A_314 : vector<1x16xf32> to vector<16xf32>
      %swap3A_316 = vector.shape_cast %broadcast_in_dim3A_311 : vector<16xf32> to vector<1x16xf32>
      tpu.vector_store %arg11[%swap3A_312, %swap3A_313], %swap3A_316 {strides = array<i32>} : memref<128x128xf32, #tpu.memory_space<vmem>>, vector<1x16xf32>,
      %broadcast_in_dim3A_317 = arith.constant 0.000000e+00 : f32
      %broadcast_in_dim3A_318 = vector.broadcast %broadcast_in_dim3A_317 : f32 to vector<16xf32>
      %swap3A_319 = arith.index_cast %scan3A_309 : i32 to index
      %swap3A_320 = arith.constant 16 : index
      %swap3A_321 = tpu.vector_load %arg11[%swap3A_319, %swap3A_320] {strides = array<i32>} : memref<128x128xf32, #tpu.memory_space<vmem>>, vector<1x16xf32>,
      %swap3A_322 = vector.shape_cast %swap3A_321 : vector<1x16xf32> to vector<16xf32>
      %swap3A_323 = vector.shape_cast %broadcast_in_dim3A_318 : vector<16xf32> to vector<1x16xf32>
      tpu.vector_store %arg11[%swap3A_319, %swap3A_320], %swap3A_323 {strides = array<i32>} : memref<128x128xf32, #tpu.memory_space<vmem>>, vector<1x16xf32>,
      %broadcast_in_dim3A_324 = arith.constant 0.000000e+00 : f32
      %broadcast_in_dim3A_325 = vector.broadcast %broadcast_in_dim3A_324 : f32 to vector<16xf32>
      %swap3A_326 = arith.index_cast %scan3A_309 : i32 to index
      %swap3A_327 = arith.constant 32 : index
      %swap3A_328 = tpu.vector_load %arg11[%swap3A_326, %swap3A_327] {strides = array<i32>} : memref<128x128xf32, #tpu.memory_space<vmem>>, vector<1x16xf32>,
      %swap3A_329 = vector.shape_cast %swap3A_328 : vector<1x16xf32> to vector<16xf32>
      %swap3A_330 = vector.shape_cast %broadcast_in_dim3A_325 : vector<16xf32> to vector<1x16xf32>
      tpu.vector_store %arg11[%swap3A_326, %swap3A_327], %swap3A_330 {strides = array<i32>} : memref<128x128xf32, #tpu.memory_space<vmem>>, vector<1x16xf32>,
      %broadcast_in_dim3A_331 = arith.constant 0.000000e+00 : f32
      %broadcast_in_dim3A_332 = vector.broadcast %broadcast_in_dim3A_331 : f32 to vector<16xf32>
      %swap3A_333 = arith.index_cast %scan3A_309 : i32 to index
      %swap3A_334 = arith.constant 48 : index
      %swap3A_335 = tpu.vector_load %arg11[%swap3A_333, %swap3A_334] {strides = array<i32>} : memref<128x128xf32, #tpu.memory_space<vmem>>, vector<1x16xf32>,
      %swap3A_336 = vector.shape_cast %swap3A_335 : vector<1x16xf32> to vector<16xf32>
      %swap3A_337 = vector.shape_cast %broadcast_in_dim3A_332 : vector<16xf32> to vector<1x16xf32>
      tpu.vector_store %arg11[%swap3A_333, %swap3A_334], %swap3A_337 {strides = array<i32>} : memref<128x128xf32, #tpu.memory_space<vmem>>, vector<1x16xf32>,
      %broadcast_in_dim3A_338 = arith.constant 0.000000e+00 : f32
      %broadcast_in_dim3A_339 = vector.broadcast %broadcast_in_dim3A_338 : f32 to vector<16xf32>
      %swap3A_340 = arith.index_cast %scan3A_309 : i32 to index
      %swap3A_341 = arith.constant 64 : index
      %swap3A_342 = tpu.vector_load %arg11[%swap3A_340, %swap3A_341] {strides = array<i32>} : memref<128x128xf32, #tpu.memory_space<vmem>>, vector<1x16xf32>,
      %swap3A_343 = vector.shape_cast %swap3A_342 : vector<1x16xf32> to vector<16xf32>
      %swap3A_344 = vector.shape_cast %broadcast_in_dim3A_339 : vector<16xf32> to vector<1x16xf32>
      tpu.vector_store %arg11[%swap3A_340, %swap3A_341], %swap3A_344 {strides = array<i32>} : memref<128x128xf32, #tpu.memory_space<vmem>>, vector<1x16xf32>,
      %broadcast_in_dim3A_345 = arith.constant 0.000000e+00 : f32
      %broadcast_in_dim3A_346 = vector.broadcast %broadcast_in_dim3A_345 : f32 to vector<16xf32>
      %swap3A_347 = arith.index_cast %scan3A_309 : i32 to index
      %swap3A_348 = arith.constant 80 : index
      %swap3A_349 = tpu.vector_load %arg11[%swap3A_347, %swap3A_348] {strides = array<i32>} : memref<128x128xf32, #tpu.memory_space<vmem>>, vector<1x16xf32>,
      %swap3A_350 = vector.shape_cast %swap3A_349 : vector<1x16xf32> to vector<16xf32>
      %swap3A_351 = vector.shape_cast %broadcast_in_dim3A_346 : vector<16xf32> to vector<1x16xf32>
      tpu.vector_store %arg11[%swap3A_347, %swap3A_348], %swap3A_351 {strides = array<i32>} : memref<128x128xf32, #tpu.memory_space<vmem>>, vector<1x16xf32>,
      %broadcast_in_dim3A_352 = arith.constant 0.000000e+00 : f32
      %broadcast_in_dim3A_353 = vector.broadcast %broadcast_in_dim3A_352 : f32 to vector<16xf32>
      %swap3A_354 = arith.index_cast %scan3A_309 : i32 to index
      %swap3A_355 = arith.constant 96 : index
      %swap3A_356 = tpu.vector_load %arg11[%swap3A_354, %swap3A_355] {strides = array<i32>} : memref<128x128xf32, #tpu.memory_space<vmem>>, vector<1x16xf32>,
      %swap3A_357 = vector.shape_cast %swap3A_356 : vector<1x16xf32> to vector<16xf32>
      %swap3A_358 = vector.shape_cast %broadcast_in_dim3A_353 : vector<16xf32> to vector<1x16xf32>
      tpu.vector_store %arg11[%swap3A_354, %swap3A_355], %swap3A_358 {strides = array<i32>} : memref<128x128xf32, #tpu.memory_space<vmem>>, vector<1x16xf32>,
      %broadcast_in_dim3A_359 = arith.constant 0.000000e+00 : f32
      %broadcast_in_dim3A_360 = vector.broadcast %broadcast_in_dim3A_359 : f32 to vector<16xf32>
      %swap3A_361 = arith.index_cast %scan3A_309 : i32 to index
      %swap3A_362 = arith.constant 112 : index
      %swap3A_363 = tpu.vector_load %arg11[%swap3A_361, %swap3A_362] {strides = array<i32>} : memref<128x128xf32, #tpu.memory_space<vmem>>, vector<1x16xf32>,
      %swap3A_364 = vector.shape_cast %swap3A_363 : vector<1x16xf32> to vector<16xf32>
      %swap3A_365 = vector.shape_cast %broadcast_in_dim3A_360 : vector<16xf32> to vector<1x16xf32>
      tpu.vector_store %arg11[%swap3A_361, %swap3A_362], %swap3A_365 {strides = array<i32>} : memref<128x128xf32, #tpu.memory_space<vmem>>, vector<1x16xf32>,
    }
    %scan3A_6 = arith.constant 128 : i32
    %broadcast_in_dim3A = arith.constant 0.000000e+00 : f32
    %broadcast_in_dim3A_7 = vector.broadcast %broadcast_in_dim3A : f32 to vector<16xf32>
    %swap3A = arith.constant 0 : index
    %swap3A_8 = tpu.vector_load %arg12[%swap3A] {strides = array<i32>} : memref<640xf32, #tpu.memory_space<vmem>>, vector<16xf32>,
    %swap3A_9 = vector.shape_cast %swap3A_8 : vector<16xf32> to vector<16xf32>
    %swap3A_10 = vector.shape_cast %broadcast_in_dim3A_7 : vector<16xf32> to vector<16xf32>
    tpu.vector_store %arg12[%swap3A], %swap3A_10 {strides = array<i32>} : memref<640xf32, #tpu.memory_space<vmem>>, vector<16xf32>,
    %broadcast_in_dim3A_11 = arith.constant 0.000000e+00 : f32
    %broadcast_in_dim3A_12 = vector.broadcast %broadcast_in_dim3A_11 : f32 to vector<16xf32>
    %swap3A_13 = arith.constant 16 : index
    %swap3A_14 = tpu.vector_load %arg12[%swap3A_13] {strides = array<i32>} : memref<640xf32, #tpu.memory_space<vmem>>, vector<16xf32>,
    %swap3A_15 = vector.shape_cast %swap3A_14 : vector<16xf32> to vector<16xf32>
    %swap3A_16 = vector.shape_cast %broadcast_in_dim3A_12 : vector<16xf32> to vector<16xf32>
    tpu.vector_store %arg12[%swap3A_13], %swap3A_16 {strides = array<i32>} : memref<640xf32, #tpu.memory_space<vmem>>, vector<16xf32>,
    %broadcast_in_dim3A_17 = arith.constant 0.000000e+00 : f32
    %broadcast_in_dim3A_18 = vector.broadcast %broadcast_in_dim3A_17 : f32 to vector<16xf32>
    %swap3A_19 = arith.constant 32 : index
    %swap3A_20 = tpu.vector_load %arg12[%swap3A_19] {strides = array<i32>} : memref<640xf32, #tpu.memory_space<vmem>>, vector<16xf32>,
    %swap3A_21 = vector.shape_cast %swap3A_20 : vector<16xf32> to vector<16xf32>
    %swap3A_22 = vector.shape_cast %broadcast_in_dim3A_18 : vector<16xf32> to vector<16xf32>
    tpu.vector_store %arg12[%swap3A_19], %swap3A_22 {strides = array<i32>} : memref<640xf32, #tpu.memory_space<vmem>>, vector<16xf32>,
    %broadcast_in_dim3A_23 = arith.constant 0.000000e+00 : f32
    %broadcast_in_dim3A_24 = vector.broadcast %broadcast_in_dim3A_23 : f32 to vector<16xf32>
    %swap3A_25 = arith.constant 48 : index
    %swap3A_26 = tpu.vector_load %arg12[%swap3A_25] {strides = array<i32>} : memref<640xf32, #tpu.memory_space<vmem>>, vector<16xf32>,
    %swap3A_27 = vector.shape_cast %swap3A_26 : vector<16xf32> to vector<16xf32>
    %swap3A_28 = vector.shape_cast %broadcast_in_dim3A_24 : vector<16xf32> to vector<16xf32>
    tpu.vector_store %arg12[%swap3A_25], %swap3A_28 {strides = array<i32>} : memref<640xf32, #tpu.memory_space<vmem>>, vector<16xf32>,
    %broadcast_in_dim3A_29 = arith.constant 0.000000e+00 : f32
    %broadcast_in_dim3A_30 = vector.broadcast %broadcast_in_dim3A_29 : f32 to vector<16xf32>
    %swap3A_31 = arith.constant 64 : index
    %swap3A_32 = tpu.vector_load %arg12[%swap3A_31] {strides = array<i32>} : memref<640xf32, #tpu.memory_space<vmem>>, vector<16xf32>,
    %swap3A_33 = vector.shape_cast %swap3A_32 : vector<16xf32> to vector<16xf32>
    %swap3A_34 = vector.shape_cast %broadcast_in_dim3A_30 : vector<16xf32> to vector<16xf32>
    tpu.vector_store %arg12[%swap3A_31], %swap3A_34 {strides = array<i32>} : memref<640xf32, #tpu.memory_space<vmem>>, vector<16xf32>,
    %broadcast_in_dim3A_35 = arith.constant 0.000000e+00 : f32
    %broadcast_in_dim3A_36 = vector.broadcast %broadcast_in_dim3A_35 : f32 to vector<16xf32>
    %swap3A_37 = arith.constant 80 : index
    %swap3A_38 = tpu.vector_load %arg12[%swap3A_37] {strides = array<i32>} : memref<640xf32, #tpu.memory_space<vmem>>, vector<16xf32>,
    %swap3A_39 = vector.shape_cast %swap3A_38 : vector<16xf32> to vector<16xf32>
    %swap3A_40 = vector.shape_cast %broadcast_in_dim3A_36 : vector<16xf32> to vector<16xf32>
    tpu.vector_store %arg12[%swap3A_37], %swap3A_40 {strides = array<i32>} : memref<640xf32, #tpu.memory_space<vmem>>, vector<16xf32>,
    %broadcast_in_dim3A_41 = arith.constant 0.000000e+00 : f32
    %broadcast_in_dim3A_42 = vector.broadcast %broadcast_in_dim3A_41 : f32 to vector<16xf32>
    %swap3A_43 = arith.constant 96 : index
    %swap3A_44 = tpu.vector_load %arg12[%swap3A_43] {strides = array<i32>} : memref<640xf32, #tpu.memory_space<vmem>>, vector<16xf32>,
    %swap3A_45 = vector.shape_cast %swap3A_44 : vector<16xf32> to vector<16xf32>
    %swap3A_46 = vector.shape_cast %broadcast_in_dim3A_42 : vector<16xf32> to vector<16xf32>
    tpu.vector_store %arg12[%swap3A_43], %swap3A_46 {strides = array<i32>} : memref<640xf32, #tpu.memory_space<vmem>>, vector<16xf32>,
    %broadcast_in_dim3A_47 = arith.constant 0.000000e+00 : f32
    %broadcast_in_dim3A_48 = vector.broadcast %broadcast_in_dim3A_47 : f32 to vector<16xf32>
    %swap3A_49 = arith.constant 112 : index
    %swap3A_50 = tpu.vector_load %arg12[%swap3A_49] {strides = array<i32>} : memref<640xf32, #tpu.memory_space<vmem>>, vector<16xf32>,
    %swap3A_51 = vector.shape_cast %swap3A_50 : vector<16xf32> to vector<16xf32>
    %swap3A_52 = vector.shape_cast %broadcast_in_dim3A_48 : vector<16xf32> to vector<16xf32>
    tpu.vector_store %arg12[%swap3A_49], %swap3A_52 {strides = array<i32>} : memref<640xf32, #tpu.memory_space<vmem>>, vector<16xf32>,
    %broadcast_in_dim3A_53 = arith.constant 0.000000e+00 : f32
    %broadcast_in_dim3A_54 = vector.broadcast %broadcast_in_dim3A_53 : f32 to vector<16xf32>
    %swap3A_55 = arith.constant 128 : index
    %swap3A_56 = tpu.vector_load %arg12[%swap3A_55] {strides = array<i32>} : memref<640xf32, #tpu.memory_space<vmem>>, vector<16xf32>,
    %swap3A_57 = vector.shape_cast %swap3A_56 : vector<16xf32> to vector<16xf32>
    %swap3A_58 = vector.shape_cast %broadcast_in_dim3A_54 : vector<16xf32> to vector<16xf32>
    tpu.vector_store %arg12[%swap3A_55], %swap3A_58 {strides = array<i32>} : memref<640xf32, #tpu.memory_space<vmem>>, vector<16xf32>,
    %broadcast_in_dim3A_59 = arith.constant 0.000000e+00 : f32
    %broadcast_in_dim3A_60 = vector.broadcast %broadcast_in_dim3A_59 : f32 to vector<16xf32>
    %swap3A_61 = arith.constant 144 : index
    %swap3A_62 = tpu.vector_load %arg12[%swap3A_61] {strides = array<i32>} : memref<640xf32, #tpu.memory_space<vmem>>, vector<16xf32>,
    %swap3A_63 = vector.shape_cast %swap3A_62 : vector<16xf32> to vector<16xf32>
    %swap3A_64 = vector.shape_cast %broadcast_in_dim3A_60 : vector<16xf32> to vector<16xf32>
    tpu.vector_store %arg12[%swap3A_61], %swap3A_64 {strides = array<i32>} : memref<640xf32, #tpu.memory_space<vmem>>, vector<16xf32>,
    %broadcast_in_dim3A_65 = arith.constant 0.000000e+00 : f32
    %broadcast_in_dim3A_66 = vector.broadcast %broadcast_in_dim3A_65 : f32 to vector<16xf32>
    %swap3A_67 = arith.constant 160 : index
    %swap3A_68 = tpu.vector_load %arg12[%swap3A_67] {strides = array<i32>} : memref<640xf32, #tpu.memory_space<vmem>>, vector<16xf32>,
    %swap3A_69 = vector.shape_cast %swap3A_68 : vector<16xf32> to vector<16xf32>
    %swap3A_70 = vector.shape_cast %broadcast_in_dim3A_66 : vector<16xf32> to vector<16xf32>
    tpu.vector_store %arg12[%swap3A_67], %swap3A_70 {strides = array<i32>} : memref<640xf32, #tpu.memory_space<vmem>>, vector<16xf32>,
    %broadcast_in_dim3A_71 = arith.constant 0.000000e+00 : f32
    %broadcast_in_dim3A_72 = vector.broadcast %broadcast_in_dim3A_71 : f32 to vector<16xf32>
    %swap3A_73 = arith.constant 176 : index
    %swap3A_74 = tpu.vector_load %arg12[%swap3A_73] {strides = array<i32>} : memref<640xf32, #tpu.memory_space<vmem>>, vector<16xf32>,
    %swap3A_75 = vector.shape_cast %swap3A_74 : vector<16xf32> to vector<16xf32>
    %swap3A_76 = vector.shape_cast %broadcast_in_dim3A_72 : vector<16xf32> to vector<16xf32>
    tpu.vector_store %arg12[%swap3A_73], %swap3A_76 {strides = array<i32>} : memref<640xf32, #tpu.memory_space<vmem>>, vector<16xf32>,
    %broadcast_in_dim3A_77 = arith.constant 0.000000e+00 : f32
    %broadcast_in_dim3A_78 = vector.broadcast %broadcast_in_dim3A_77 : f32 to vector<16xf32>
    %swap3A_79 = arith.constant 192 : index
    %swap3A_80 = tpu.vector_load %arg12[%swap3A_79] {strides = array<i32>} : memref<640xf32, #tpu.memory_space<vmem>>, vector<16xf32>,
    %swap3A_81 = vector.shape_cast %swap3A_80 : vector<16xf32> to vector<16xf32>
    %swap3A_82 = vector.shape_cast %broadcast_in_dim3A_78 : vector<16xf32> to vector<16xf32>
    tpu.vector_store %arg12[%swap3A_79], %swap3A_82 {strides = array<i32>} : memref<640xf32, #tpu.memory_space<vmem>>, vector<16xf32>,
    %broadcast_in_dim3A_83 = arith.constant 0.000000e+00 : f32
    %broadcast_in_dim3A_84 = vector.broadcast %broadcast_in_dim3A_83 : f32 to vector<16xf32>
    %swap3A_85 = arith.constant 208 : index
    %swap3A_86 = tpu.vector_load %arg12[%swap3A_85] {strides = array<i32>} : memref<640xf32, #tpu.memory_space<vmem>>, vector<16xf32>,
    %swap3A_87 = vector.shape_cast %swap3A_86 : vector<16xf32> to vector<16xf32>
    %swap3A_88 = vector.shape_cast %broadcast_in_dim3A_84 : vector<16xf32> to vector<16xf32>
    tpu.vector_store %arg12[%swap3A_85], %swap3A_88 {strides = array<i32>} : memref<640xf32, #tpu.memory_space<vmem>>, vector<16xf32>,
    %broadcast_in_dim3A_89 = arith.constant 0.000000e+00 : f32
    %broadcast_in_dim3A_90 = vector.broadcast %broadcast_in_dim3A_89 : f32 to vector<16xf32>
    %swap3A_91 = arith.constant 224 : index
    %swap3A_92 = tpu.vector_load %arg12[%swap3A_91] {strides = array<i32>} : memref<640xf32, #tpu.memory_space<vmem>>, vector<16xf32>,
    %swap3A_93 = vector.shape_cast %swap3A_92 : vector<16xf32> to vector<16xf32>
    %swap3A_94 = vector.shape_cast %broadcast_in_dim3A_90 : vector<16xf32> to vector<16xf32>
    tpu.vector_store %arg12[%swap3A_91], %swap3A_94 {strides = array<i32>} : memref<640xf32, #tpu.memory_space<vmem>>, vector<16xf32>,
    %broadcast_in_dim3A_95 = arith.constant 0.000000e+00 : f32
    %broadcast_in_dim3A_96 = vector.broadcast %broadcast_in_dim3A_95 : f32 to vector<16xf32>
    %swap3A_97 = arith.constant 240 : index
    %swap3A_98 = tpu.vector_load %arg12[%swap3A_97] {strides = array<i32>} : memref<640xf32, #tpu.memory_space<vmem>>, vector<16xf32>,
    %swap3A_99 = vector.shape_cast %swap3A_98 : vector<16xf32> to vector<16xf32>
    %swap3A_100 = vector.shape_cast %broadcast_in_dim3A_96 : vector<16xf32> to vector<16xf32>
    tpu.vector_store %arg12[%swap3A_97], %swap3A_100 {strides = array<i32>} : memref<640xf32, #tpu.memory_space<vmem>>, vector<16xf32>,
    %broadcast_in_dim3A_101 = arith.constant 0.000000e+00 : f32
    %broadcast_in_dim3A_102 = vector.broadcast %broadcast_in_dim3A_101 : f32 to vector<16xf32>
    %swap3A_103 = arith.constant 256 : index
    %swap3A_104 = tpu.vector_load %arg12[%swap3A_103] {strides = array<i32>} : memref<640xf32, #tpu.memory_space<vmem>>, vector<16xf32>,
    %swap3A_105 = vector.shape_cast %swap3A_104 : vector<16xf32> to vector<16xf32>
    %swap3A_106 = vector.shape_cast %broadcast_in_dim3A_102 : vector<16xf32> to vector<16xf32>
    tpu.vector_store %arg12[%swap3A_103], %swap3A_106 {strides = array<i32>} : memref<640xf32, #tpu.memory_space<vmem>>, vector<16xf32>,
    %broadcast_in_dim3A_107 = arith.constant 0.000000e+00 : f32
    %broadcast_in_dim3A_108 = vector.broadcast %broadcast_in_dim3A_107 : f32 to vector<16xf32>
    %swap3A_109 = arith.constant 272 : index
    %swap3A_110 = tpu.vector_load %arg12[%swap3A_109] {strides = array<i32>} : memref<640xf32, #tpu.memory_space<vmem>>, vector<16xf32>,
    %swap3A_111 = vector.shape_cast %swap3A_110 : vector<16xf32> to vector<16xf32>
    %swap3A_112 = vector.shape_cast %broadcast_in_dim3A_108 : vector<16xf32> to vector<16xf32>
    tpu.vector_store %arg12[%swap3A_109], %swap3A_112 {strides = array<i32>} : memref<640xf32, #tpu.memory_space<vmem>>, vector<16xf32>,
    %broadcast_in_dim3A_113 = arith.constant 0.000000e+00 : f32
    %broadcast_in_dim3A_114 = vector.broadcast %broadcast_in_dim3A_113 : f32 to vector<16xf32>
    %swap3A_115 = arith.constant 288 : index
    %swap3A_116 = tpu.vector_load %arg12[%swap3A_115] {strides = array<i32>} : memref<640xf32, #tpu.memory_space<vmem>>, vector<16xf32>,
    %swap3A_117 = vector.shape_cast %swap3A_116 : vector<16xf32> to vector<16xf32>
    %swap3A_118 = vector.shape_cast %broadcast_in_dim3A_114 : vector<16xf32> to vector<16xf32>
    tpu.vector_store %arg12[%swap3A_115], %swap3A_118 {strides = array<i32>} : memref<640xf32, #tpu.memory_space<vmem>>, vector<16xf32>,
    %broadcast_in_dim3A_119 = arith.constant 0.000000e+00 : f32
    %broadcast_in_dim3A_120 = vector.broadcast %broadcast_in_dim3A_119 : f32 to vector<16xf32>
    %swap3A_121 = arith.constant 304 : index
    %swap3A_122 = tpu.vector_load %arg12[%swap3A_121] {strides = array<i32>} : memref<640xf32, #tpu.memory_space<vmem>>, vector<16xf32>,
    %swap3A_123 = vector.shape_cast %swap3A_122 : vector<16xf32> to vector<16xf32>
    %swap3A_124 = vector.shape_cast %broadcast_in_dim3A_120 : vector<16xf32> to vector<16xf32>
    tpu.vector_store %arg12[%swap3A_121], %swap3A_124 {strides = array<i32>} : memref<640xf32, #tpu.memory_space<vmem>>, vector<16xf32>,
    %broadcast_in_dim3A_125 = arith.constant 0.000000e+00 : f32
    %broadcast_in_dim3A_126 = vector.broadcast %broadcast_in_dim3A_125 : f32 to vector<16xf32>
    %swap3A_127 = arith.constant 320 : index
    %swap3A_128 = tpu.vector_load %arg12[%swap3A_127] {strides = array<i32>} : memref<640xf32, #tpu.memory_space<vmem>>, vector<16xf32>,
    %swap3A_129 = vector.shape_cast %swap3A_128 : vector<16xf32> to vector<16xf32>
    %swap3A_130 = vector.shape_cast %broadcast_in_dim3A_126 : vector<16xf32> to vector<16xf32>
    tpu.vector_store %arg12[%swap3A_127], %swap3A_130 {strides = array<i32>} : memref<640xf32, #tpu.memory_space<vmem>>, vector<16xf32>,
    %broadcast_in_dim3A_131 = arith.constant 0.000000e+00 : f32
    %broadcast_in_dim3A_132 = vector.broadcast %broadcast_in_dim3A_131 : f32 to vector<16xf32>
    %swap3A_133 = arith.constant 336 : index
    %swap3A_134 = tpu.vector_load %arg12[%swap3A_133] {strides = array<i32>} : memref<640xf32, #tpu.memory_space<vmem>>, vector<16xf32>,
    %swap3A_135 = vector.shape_cast %swap3A_134 : vector<16xf32> to vector<16xf32>
    %swap3A_136 = vector.shape_cast %broadcast_in_dim3A_132 : vector<16xf32> to vector<16xf32>
    tpu.vector_store %arg12[%swap3A_133], %swap3A_136 {strides = array<i32>} : memref<640xf32, #tpu.memory_space<vmem>>, vector<16xf32>,
    %broadcast_in_dim3A_137 = arith.constant 0.000000e+00 : f32
    %broadcast_in_dim3A_138 = vector.broadcast %broadcast_in_dim3A_137 : f32 to vector<16xf32>
    %swap3A_139 = arith.constant 352 : index
    %swap3A_140 = tpu.vector_load %arg12[%swap3A_139] {strides = array<i32>} : memref<640xf32, #tpu.memory_space<vmem>>, vector<16xf32>,
    %swap3A_141 = vector.shape_cast %swap3A_140 : vector<16xf32> to vector<16xf32>
    %swap3A_142 = vector.shape_cast %broadcast_in_dim3A_138 : vector<16xf32> to vector<16xf32>
    tpu.vector_store %arg12[%swap3A_139], %swap3A_142 {strides = array<i32>} : memref<640xf32, #tpu.memory_space<vmem>>, vector<16xf32>,
    %broadcast_in_dim3A_143 = arith.constant 0.000000e+00 : f32
    %broadcast_in_dim3A_144 = vector.broadcast %broadcast_in_dim3A_143 : f32 to vector<16xf32>
    %swap3A_145 = arith.constant 368 : index
    %swap3A_146 = tpu.vector_load %arg12[%swap3A_145] {strides = array<i32>} : memref<640xf32, #tpu.memory_space<vmem>>, vector<16xf32>,
    %swap3A_147 = vector.shape_cast %swap3A_146 : vector<16xf32> to vector<16xf32>
    %swap3A_148 = vector.shape_cast %broadcast_in_dim3A_144 : vector<16xf32> to vector<16xf32>
    tpu.vector_store %arg12[%swap3A_145], %swap3A_148 {strides = array<i32>} : memref<640xf32, #tpu.memory_space<vmem>>, vector<16xf32>,
    %broadcast_in_dim3A_149 = arith.constant 0.000000e+00 : f32
    %broadcast_in_dim3A_150 = vector.broadcast %broadcast_in_dim3A_149 : f32 to vector<16xf32>
    %swap3A_151 = arith.constant 384 : index
    %swap3A_152 = tpu.vector_load %arg12[%swap3A_151] {strides = array<i32>} : memref<640xf32, #tpu.memory_space<vmem>>, vector<16xf32>,
    %swap3A_153 = vector.shape_cast %swap3A_152 : vector<16xf32> to vector<16xf32>
    %swap3A_154 = vector.shape_cast %broadcast_in_dim3A_150 : vector<16xf32> to vector<16xf32>
    tpu.vector_store %arg12[%swap3A_151], %swap3A_154 {strides = array<i32>} : memref<640xf32, #tpu.memory_space<vmem>>, vector<16xf32>,
    %broadcast_in_dim3A_155 = arith.constant 0.000000e+00 : f32
    %broadcast_in_dim3A_156 = vector.broadcast %broadcast_in_dim3A_155 : f32 to vector<16xf32>
    %swap3A_157 = arith.constant 400 : index
    %swap3A_158 = tpu.vector_load %arg12[%swap3A_157] {strides = array<i32>} : memref<640xf32, #tpu.memory_space<vmem>>, vector<16xf32>,
    %swap3A_159 = vector.shape_cast %swap3A_158 : vector<16xf32> to vector<16xf32>
    %swap3A_160 = vector.shape_cast %broadcast_in_dim3A_156 : vector<16xf32> to vector<16xf32>
    tpu.vector_store %arg12[%swap3A_157], %swap3A_160 {strides = array<i32>} : memref<640xf32, #tpu.memory_space<vmem>>, vector<16xf32>,
    %broadcast_in_dim3A_161 = arith.constant 0.000000e+00 : f32
    %broadcast_in_dim3A_162 = vector.broadcast %broadcast_in_dim3A_161 : f32 to vector<16xf32>
    %swap3A_163 = arith.constant 416 : index
    %swap3A_164 = tpu.vector_load %arg12[%swap3A_163] {strides = array<i32>} : memref<640xf32, #tpu.memory_space<vmem>>, vector<16xf32>,
    %swap3A_165 = vector.shape_cast %swap3A_164 : vector<16xf32> to vector<16xf32>
    %swap3A_166 = vector.shape_cast %broadcast_in_dim3A_162 : vector<16xf32> to vector<16xf32>
    tpu.vector_store %arg12[%swap3A_163], %swap3A_166 {strides = array<i32>} : memref<640xf32, #tpu.memory_space<vmem>>, vector<16xf32>,
    %broadcast_in_dim3A_167 = arith.constant 0.000000e+00 : f32
    %broadcast_in_dim3A_168 = vector.broadcast %broadcast_in_dim3A_167 : f32 to vector<16xf32>
    %swap3A_169 = arith.constant 432 : index
    %swap3A_170 = tpu.vector_load %arg12[%swap3A_169] {strides = array<i32>} : memref<640xf32, #tpu.memory_space<vmem>>, vector<16xf32>,
    %swap3A_171 = vector.shape_cast %swap3A_170 : vector<16xf32> to vector<16xf32>
    %swap3A_172 = vector.shape_cast %broadcast_in_dim3A_168 : vector<16xf32> to vector<16xf32>
    tpu.vector_store %arg12[%swap3A_169], %swap3A_172 {strides = array<i32>} : memref<640xf32, #tpu.memory_space<vmem>>, vector<16xf32>,
    %broadcast_in_dim3A_173 = arith.constant 0.000000e+00 : f32
    %broadcast_in_dim3A_174 = vector.broadcast %broadcast_in_dim3A_173 : f32 to vector<16xf32>
    %swap3A_175 = arith.constant 448 : index
    %swap3A_176 = tpu.vector_load %arg12[%swap3A_175] {strides = array<i32>} : memref<640xf32, #tpu.memory_space<vmem>>, vector<16xf32>,
    %swap3A_177 = vector.shape_cast %swap3A_176 : vector<16xf32> to vector<16xf32>
    %swap3A_178 = vector.shape_cast %broadcast_in_dim3A_174 : vector<16xf32> to vector<16xf32>
    tpu.vector_store %arg12[%swap3A_175], %swap3A_178 {strides = array<i32>} : memref<640xf32, #tpu.memory_space<vmem>>, vector<16xf32>,
    %broadcast_in_dim3A_179 = arith.constant 0.000000e+00 : f32
    %broadcast_in_dim3A_180 = vector.broadcast %broadcast_in_dim3A_179 : f32 to vector<16xf32>
    %swap3A_181 = arith.constant 464 : index
    %swap3A_182 = tpu.vector_load %arg12[%swap3A_181] {strides = array<i32>} : memref<640xf32, #tpu.memory_space<vmem>>, vector<16xf32>,
    %swap3A_183 = vector.shape_cast %swap3A_182 : vector<16xf32> to vector<16xf32>
    %swap3A_184 = vector.shape_cast %broadcast_in_dim3A_180 : vector<16xf32> to vector<16xf32>
    tpu.vector_store %arg12[%swap3A_181], %swap3A_184 {strides = array<i32>} : memref<640xf32, #tpu.memory_space<vmem>>, vector<16xf32>,
    %broadcast_in_dim3A_185 = arith.constant 0.000000e+00 : f32
    %broadcast_in_dim3A_186 = vector.broadcast %broadcast_in_dim3A_185 : f32 to vector<16xf32>
    %swap3A_187 = arith.constant 480 : index
    %swap3A_188 = tpu.vector_load %arg12[%swap3A_187] {strides = array<i32>} : memref<640xf32, #tpu.memory_space<vmem>>, vector<16xf32>,
    %swap3A_189 = vector.shape_cast %swap3A_188 : vector<16xf32> to vector<16xf32>
    %swap3A_190 = vector.shape_cast %broadcast_in_dim3A_186 : vector<16xf32> to vector<16xf32>
    tpu.vector_store %arg12[%swap3A_187], %swap3A_190 {strides = array<i32>} : memref<640xf32, #tpu.memory_space<vmem>>, vector<16xf32>,
    %broadcast_in_dim3A_191 = arith.constant 0.000000e+00 : f32
    %broadcast_in_dim3A_192 = vector.broadcast %broadcast_in_dim3A_191 : f32 to vector<16xf32>
    %swap3A_193 = arith.constant 496 : index
    %swap3A_194 = tpu.vector_load %arg12[%swap3A_193] {strides = array<i32>} : memref<640xf32, #tpu.memory_space<vmem>>, vector<16xf32>,
    %swap3A_195 = vector.shape_cast %swap3A_194 : vector<16xf32> to vector<16xf32>
    %swap3A_196 = vector.shape_cast %broadcast_in_dim3A_192 : vector<16xf32> to vector<16xf32>
    tpu.vector_store %arg12[%swap3A_193], %swap3A_196 {strides = array<i32>} : memref<640xf32, #tpu.memory_space<vmem>>, vector<16xf32>,
    %broadcast_in_dim3A_197 = arith.constant 0.000000e+00 : f32
    %broadcast_in_dim3A_198 = vector.broadcast %broadcast_in_dim3A_197 : f32 to vector<16xf32>
    %swap3A_199 = arith.constant 512 : index
    %swap3A_200 = tpu.vector_load %arg12[%swap3A_199] {strides = array<i32>} : memref<640xf32, #tpu.memory_space<vmem>>, vector<16xf32>,
    %swap3A_201 = vector.shape_cast %swap3A_200 : vector<16xf32> to vector<16xf32>
    %swap3A_202 = vector.shape_cast %broadcast_in_dim3A_198 : vector<16xf32> to vector<16xf32>
    tpu.vector_store %arg12[%swap3A_199], %swap3A_202 {strides = array<i32>} : memref<640xf32, #tpu.memory_space<vmem>>, vector<16xf32>,
    %broadcast_in_dim3A_203 = arith.constant 0.000000e+00 : f32
    %broadcast_in_dim3A_204 = vector.broadcast %broadcast_in_dim3A_203 : f32 to vector<16xf32>
    %swap3A_205 = arith.constant 528 : index
    %swap3A_206 = tpu.vector_load %arg12[%swap3A_205] {strides = array<i32>} : memref<640xf32, #tpu.memory_space<vmem>>, vector<16xf32>,
    %swap3A_207 = vector.shape_cast %swap3A_206 : vector<16xf32> to vector<16xf32>
    %swap3A_208 = vector.shape_cast %broadcast_in_dim3A_204 : vector<16xf32> to vector<16xf32>
    tpu.vector_store %arg12[%swap3A_205], %swap3A_208 {strides = array<i32>} : memref<640xf32, #tpu.memory_space<vmem>>, vector<16xf32>,
    %broadcast_in_dim3A_209 = arith.constant 0.000000e+00 : f32
    %broadcast_in_dim3A_210 = vector.broadcast %broadcast_in_dim3A_209 : f32 to vector<16xf32>
    %swap3A_211 = arith.constant 544 : index
    %swap3A_212 = tpu.vector_load %arg12[%swap3A_211] {strides = array<i32>} : memref<640xf32, #tpu.memory_space<vmem>>, vector<16xf32>,
    %swap3A_213 = vector.shape_cast %swap3A_212 : vector<16xf32> to vector<16xf32>
    %swap3A_214 = vector.shape_cast %broadcast_in_dim3A_210 : vector<16xf32> to vector<16xf32>
    tpu.vector_store %arg12[%swap3A_211], %swap3A_214 {strides = array<i32>} : memref<640xf32, #tpu.memory_space<vmem>>, vector<16xf32>,
    %broadcast_in_dim3A_215 = arith.constant 0.000000e+00 : f32
    %broadcast_in_dim3A_216 = vector.broadcast %broadcast_in_dim3A_215 : f32 to vector<16xf32>
    %swap3A_217 = arith.constant 560 : index
    %swap3A_218 = tpu.vector_load %arg12[%swap3A_217] {strides = array<i32>} : memref<640xf32, #tpu.memory_space<vmem>>, vector<16xf32>,
    %swap3A_219 = vector.shape_cast %swap3A_218 : vector<16xf32> to vector<16xf32>
    %swap3A_220 = vector.shape_cast %broadcast_in_dim3A_216 : vector<16xf32> to vector<16xf32>
    tpu.vector_store %arg12[%swap3A_217], %swap3A_220 {strides = array<i32>} : memref<640xf32, #tpu.memory_space<vmem>>, vector<16xf32>,
    %broadcast_in_dim3A_221 = arith.constant 0.000000e+00 : f32
    %broadcast_in_dim3A_222 = vector.broadcast %broadcast_in_dim3A_221 : f32 to vector<16xf32>
    %swap3A_223 = arith.constant 576 : index
    %swap3A_224 = tpu.vector_load %arg12[%swap3A_223] {strides = array<i32>} : memref<640xf32, #tpu.memory_space<vmem>>, vector<16xf32>,
    %swap3A_225 = vector.shape_cast %swap3A_224 : vector<16xf32> to vector<16xf32>
    %swap3A_226 = vector.shape_cast %broadcast_in_dim3A_222 : vector<16xf32> to vector<16xf32>
    tpu.vector_store %arg12[%swap3A_223], %swap3A_226 {strides = array<i32>} : memref<640xf32, #tpu.memory_space<vmem>>, vector<16xf32>,
    %broadcast_in_dim3A_227 = arith.constant 0.000000e+00 : f32
    %broadcast_in_dim3A_228 = vector.broadcast %broadcast_in_dim3A_227 : f32 to vector<16xf32>
    %swap3A_229 = arith.constant 592 : index
    %swap3A_230 = tpu.vector_load %arg12[%swap3A_229] {strides = array<i32>} : memref<640xf32, #tpu.memory_space<vmem>>, vector<16xf32>,
    %swap3A_231 = vector.shape_cast %swap3A_230 : vector<16xf32> to vector<16xf32>
    %swap3A_232 = vector.shape_cast %broadcast_in_dim3A_228 : vector<16xf32> to vector<16xf32>
    tpu.vector_store %arg12[%swap3A_229], %swap3A_232 {strides = array<i32>} : memref<640xf32, #tpu.memory_space<vmem>>, vector<16xf32>,
    %broadcast_in_dim3A_233 = arith.constant 0.000000e+00 : f32
    %broadcast_in_dim3A_234 = vector.broadcast %broadcast_in_dim3A_233 : f32 to vector<16xf32>
    %swap3A_235 = arith.constant 608 : index
    %swap3A_236 = tpu.vector_load %arg12[%swap3A_235] {strides = array<i32>} : memref<640xf32, #tpu.memory_space<vmem>>, vector<16xf32>,
    %swap3A_237 = vector.shape_cast %swap3A_236 : vector<16xf32> to vector<16xf32>
    %swap3A_238 = vector.shape_cast %broadcast_in_dim3A_234 : vector<16xf32> to vector<16xf32>
    tpu.vector_store %arg12[%swap3A_235], %swap3A_238 {strides = array<i32>} : memref<640xf32, #tpu.memory_space<vmem>>, vector<16xf32>,
    %broadcast_in_dim3A_239 = arith.constant 0.000000e+00 : f32
    %broadcast_in_dim3A_240 = vector.broadcast %broadcast_in_dim3A_239 : f32 to vector<16xf32>
    %swap3A_241 = arith.constant 624 : index
    %swap3A_242 = tpu.vector_load %arg12[%swap3A_241] {strides = array<i32>} : memref<640xf32, #tpu.memory_space<vmem>>, vector<16xf32>,
    %swap3A_243 = vector.shape_cast %swap3A_242 : vector<16xf32> to vector<16xf32>
    %swap3A_244 = vector.shape_cast %broadcast_in_dim3A_240 : vector<16xf32> to vector<16xf32>
    tpu.vector_store %arg12[%swap3A_241], %swap3A_244 {strides = array<i32>} : memref<640xf32, #tpu.memory_space<vmem>>, vector<16xf32>,
    %broadcast_in_dim3A_245 = arith.constant 1.000000e+00 : f32
    %broadcast_in_dim3A_246 = vector.broadcast %broadcast_in_dim3A_245 : f32 to vector<16xf32>
    %swap3A_247 = arith.constant 0 : index
    %swap3A_248 = tpu.vector_load %arg13[%swap3A_247] {strides = array<i32>} : memref<128xf32, #tpu.memory_space<vmem>>, vector<16xf32>,
    %swap3A_249 = vector.shape_cast %swap3A_248 : vector<16xf32> to vector<16xf32>
    %swap3A_250 = vector.shape_cast %broadcast_in_dim3A_246 : vector<16xf32> to vector<16xf32>
    tpu.vector_store %arg13[%swap3A_247], %swap3A_250 {strides = array<i32>} : memref<128xf32, #tpu.memory_space<vmem>>, vector<16xf32>,
    %broadcast_in_dim3A_251 = arith.constant 1.000000e+00 : f32
    %broadcast_in_dim3A_252 = vector.broadcast %broadcast_in_dim3A_251 : f32 to vector<16xf32>
    %swap3A_253 = arith.constant 16 : index
    %swap3A_254 = tpu.vector_load %arg13[%swap3A_253] {strides = array<i32>} : memref<128xf32, #tpu.memory_space<vmem>>, vector<16xf32>,
    %swap3A_255 = vector.shape_cast %swap3A_254 : vector<16xf32> to vector<16xf32>
    %swap3A_256 = vector.shape_cast %broadcast_in_dim3A_252 : vector<16xf32> to vector<16xf32>
    tpu.vector_store %arg13[%swap3A_253], %swap3A_256 {strides = array<i32>} : memref<128xf32, #tpu.memory_space<vmem>>, vector<16xf32>,
    %broadcast_in_dim3A_257 = arith.constant 1.000000e+00 : f32
    %broadcast_in_dim3A_258 = vector.broadcast %broadcast_in_dim3A_257 : f32 to vector<16xf32>
    %swap3A_259 = arith.constant 32 : index
    %swap3A_260 = tpu.vector_load %arg13[%swap3A_259] {strides = array<i32>} : memref<128xf32, #tpu.memory_space<vmem>>, vector<16xf32>,
    %swap3A_261 = vector.shape_cast %swap3A_260 : vector<16xf32> to vector<16xf32>
    %swap3A_262 = vector.shape_cast %broadcast_in_dim3A_258 : vector<16xf32> to vector<16xf32>
    tpu.vector_store %arg13[%swap3A_259], %swap3A_262 {strides = array<i32>} : memref<128xf32, #tpu.memory_space<vmem>>, vector<16xf32>,
    %broadcast_in_dim3A_263 = arith.constant 1.000000e+00 : f32
    %broadcast_in_dim3A_264 = vector.broadcast %broadcast_in_dim3A_263 : f32 to vector<16xf32>
    %swap3A_265 = arith.constant 48 : index
    %swap3A_266 = tpu.vector_load %arg13[%swap3A_265] {strides = array<i32>} : memref<128xf32, #tpu.memory_space<vmem>>, vector<16xf32>,
    %swap3A_267 = vector.shape_cast %swap3A_266 : vector<16xf32> to vector<16xf32>
    %swap3A_268 = vector.shape_cast %broadcast_in_dim3A_264 : vector<16xf32> to vector<16xf32>
    tpu.vector_store %arg13[%swap3A_265], %swap3A_268 {strides = array<i32>} : memref<128xf32, #tpu.memory_space<vmem>>, vector<16xf32>,
    %broadcast_in_dim3A_269 = arith.constant 1.000000e+00 : f32
    %broadcast_in_dim3A_270 = vector.broadcast %broadcast_in_dim3A_269 : f32 to vector<16xf32>
    %swap3A_271 = arith.constant 64 : index
    %swap3A_272 = tpu.vector_load %arg13[%swap3A_271] {strides = array<i32>} : memref<128xf32, #tpu.memory_space<vmem>>, vector<16xf32>,
    %swap3A_273 = vector.shape_cast %swap3A_272 : vector<16xf32> to vector<16xf32>
    %swap3A_274 = vector.shape_cast %broadcast_in_dim3A_270 : vector<16xf32> to vector<16xf32>
    tpu.vector_store %arg13[%swap3A_271], %swap3A_274 {strides = array<i32>} : memref<128xf32, #tpu.memory_space<vmem>>, vector<16xf32>,
    %broadcast_in_dim3A_275 = arith.constant 1.000000e+00 : f32
    %broadcast_in_dim3A_276 = vector.broadcast %broadcast_in_dim3A_275 : f32 to vector<16xf32>
    %swap3A_277 = arith.constant 80 : index
    %swap3A_278 = tpu.vector_load %arg13[%swap3A_277] {strides = array<i32>} : memref<128xf32, #tpu.memory_space<vmem>>, vector<16xf32>,
    %swap3A_279 = vector.shape_cast %swap3A_278 : vector<16xf32> to vector<16xf32>
    %swap3A_280 = vector.shape_cast %broadcast_in_dim3A_276 : vector<16xf32> to vector<16xf32>
    tpu.vector_store %arg13[%swap3A_277], %swap3A_280 {strides = array<i32>} : memref<128xf32, #tpu.memory_space<vmem>>, vector<16xf32>,
    %broadcast_in_dim3A_281 = arith.constant 1.000000e+00 : f32
    %broadcast_in_dim3A_282 = vector.broadcast %broadcast_in_dim3A_281 : f32 to vector<16xf32>
    %swap3A_283 = arith.constant 96 : index
    %swap3A_284 = tpu.vector_load %arg13[%swap3A_283] {strides = array<i32>} : memref<128xf32, #tpu.memory_space<vmem>>, vector<16xf32>,
    %swap3A_285 = vector.shape_cast %swap3A_284 : vector<16xf32> to vector<16xf32>
    %swap3A_286 = vector.shape_cast %broadcast_in_dim3A_282 : vector<16xf32> to vector<16xf32>
    tpu.vector_store %arg13[%swap3A_283], %swap3A_286 {strides = array<i32>} : memref<128xf32, #tpu.memory_space<vmem>>, vector<16xf32>,
    %broadcast_in_dim3A_287 = arith.constant 1.000000e+00 : f32
    %broadcast_in_dim3A_288 = vector.broadcast %broadcast_in_dim3A_287 : f32 to vector<16xf32>
    %swap3A_289 = arith.constant 112 : index
    %swap3A_290 = tpu.vector_load %arg13[%swap3A_289] {strides = array<i32>} : memref<128xf32, #tpu.memory_space<vmem>>, vector<16xf32>,
    %swap3A_291 = vector.shape_cast %swap3A_290 : vector<16xf32> to vector<16xf32>
    %swap3A_292 = vector.shape_cast %broadcast_in_dim3A_288 : vector<16xf32> to vector<16xf32>
    tpu.vector_store %arg13[%swap3A_289], %swap3A_292 {strides = array<i32>} : memref<128xf32, #tpu.memory_space<vmem>>, vector<16xf32>,
    %add3A_293 = arith.constant 0 : i32
    %add3A_294 = arith.addi %mul3A_2, %add3A_293 : i32
    "tpu.region"() ({
      %run_scoped3A = tpu.sem_alloc : memref<!tpu.dma_semaphore, #tpu.memory_space<semaphore_mem>>
      %dma_start3A = arith.constant 0 : i32
      %dma_start3A_309 = tpu.memref_slice %arg7[%add3A_294, %dma_start3A] : memref<10240x128xf32, #tpu.memory_space<vmem_shared>> -> memref<128x128xf32, #tpu.memory_space<vmem_shared>>
      %dma_start3A_310 = arith.constant 0 : i32
      %dma_start3A_311 = tpu.memref_slice %arg7[%add3A_294, %dma_start3A_310] : memref<10240x128xf32, #tpu.memory_space<vmem_shared>> -> memref<128x128xf32, #tpu.memory_space<vmem_shared>>
      tpu.enqueue_dma source(%arg11 : memref<128x128xf32, #tpu.memory_space<vmem>>) target(%dma_start3A_311 : memref<128x128xf32, #tpu.memory_space<vmem_shared>>) target_semaphore(%run_scoped3A : memref<!tpu.dma_semaphore, #tpu.memory_space<semaphore_mem>>)
      %dma_wait3A = arith.constant 0 : i32
      %dma_wait3A_312 = tpu.memref_slice %arg7[%add3A_294, %dma_wait3A] : memref<10240x128xf32, #tpu.memory_space<vmem_shared>> -> memref<128x128xf32, #tpu.memory_space<vmem_shared>>
      %dma_wait3A_313 = arith.constant 0 : i32
      %dma_wait3A_314 = tpu.memref_slice %arg7[%add3A_294, %dma_wait3A_313] : memref<10240x128xf32, #tpu.memory_space<vmem_shared>> -> memref<128x128xf32, #tpu.memory_space<vmem_shared>>
      tpu.wait_dma2 semaphore(%run_scoped3A : memref<!tpu.dma_semaphore, #tpu.memory_space<semaphore_mem>>) src(%arg11 : memref<128x128xf32, #tpu.memory_space<vmem>>) dst(%dma_wait3A_314 : memref<128x128xf32, #tpu.memory_space<vmem_shared>>)
      tpu.yield
    }) : () -> ()
    %add3A_295 = arith.constant 128 : i32
    %add3A_296 = arith.addi %mul3A_2, %add3A_295 : i32
    "tpu.region"() ({
      %run_scoped3A = tpu.sem_alloc : memref<!tpu.dma_semaphore, #tpu.memory_space<semaphore_mem>>
      %dma_start3A = arith.constant 0 : i32
      %dma_start3A_309 = tpu.memref_slice %arg7[%add3A_296, %dma_start3A] : memref<10240x128xf32, #tpu.memory_space<vmem_shared>> -> memref<128x128xf32, #tpu.memory_space<vmem_shared>>
      %dma_start3A_310 = arith.constant 0 : i32
      %dma_start3A_311 = tpu.memref_slice %arg7[%add3A_296, %dma_start3A_310] : memref<10240x128xf32, #tpu.memory_space<vmem_shared>> -> memref<128x128xf32, #tpu.memory_space<vmem_shared>>
      tpu.enqueue_dma source(%arg11 : memref<128x128xf32, #tpu.memory_space<vmem>>) target(%dma_start3A_311 : memref<128x128xf32, #tpu.memory_space<vmem_shared>>) target_semaphore(%run_scoped3A : memref<!tpu.dma_semaphore, #tpu.memory_space<semaphore_mem>>)
      %dma_wait3A = arith.constant 0 : i32
      %dma_wait3A_312 = tpu.memref_slice %arg7[%add3A_296, %dma_wait3A] : memref<10240x128xf32, #tpu.memory_space<vmem_shared>> -> memref<128x128xf32, #tpu.memory_space<vmem_shared>>
      %dma_wait3A_313 = arith.constant 0 : i32
      %dma_wait3A_314 = tpu.memref_slice %arg7[%add3A_296, %dma_wait3A_313] : memref<10240x128xf32, #tpu.memory_space<vmem_shared>> -> memref<128x128xf32, #tpu.memory_space<vmem_shared>>
      tpu.wait_dma2 semaphore(%run_scoped3A : memref<!tpu.dma_semaphore, #tpu.memory_space<semaphore_mem>>) src(%arg11 : memref<128x128xf32, #tpu.memory_space<vmem>>) dst(%dma_wait3A_314 : memref<128x128xf32, #tpu.memory_space<vmem_shared>>)
      tpu.yield
    }) : () -> ()
    %add3A_297 = arith.constant 256 : i32
    %add3A_298 = arith.addi %mul3A_2, %add3A_297 : i32
    "tpu.region"() ({
      %run_scoped3A = tpu.sem_alloc : memref<!tpu.dma_semaphore, #tpu.memory_space<semaphore_mem>>
      %dma_start3A = arith.constant 0 : i32
      %dma_start3A_309 = tpu.memref_slice %arg7[%add3A_298, %dma_start3A] : memref<10240x128xf32, #tpu.memory_space<vmem_shared>> -> memref<128x128xf32, #tpu.memory_space<vmem_shared>>
      %dma_start3A_310 = arith.constant 0 : i32
      %dma_start3A_311 = tpu.memref_slice %arg7[%add3A_298, %dma_start3A_310] : memref<10240x128xf32, #tpu.memory_space<vmem_shared>> -> memref<128x128xf32, #tpu.memory_space<vmem_shared>>
      tpu.enqueue_dma source(%arg11 : memref<128x128xf32, #tpu.memory_space<vmem>>) target(%dma_start3A_311 : memref<128x128xf32, #tpu.memory_space<vmem_shared>>) target_semaphore(%run_scoped3A : memref<!tpu.dma_semaphore, #tpu.memory_space<semaphore_mem>>)
      %dma_wait3A = arith.constant 0 : i32
      %dma_wait3A_312 = tpu.memref_slice %arg7[%add3A_298, %dma_wait3A] : memref<10240x128xf32, #tpu.memory_space<vmem_shared>> -> memref<128x128xf32, #tpu.memory_space<vmem_shared>>
      %dma_wait3A_313 = arith.constant 0 : i32
      %dma_wait3A_314 = tpu.memref_slice %arg7[%add3A_298, %dma_wait3A_313] : memref<10240x128xf32, #tpu.memory_space<vmem_shared>> -> memref<128x128xf32, #tpu.memory_space<vmem_shared>>
      tpu.wait_dma2 semaphore(%run_scoped3A : memref<!tpu.dma_semaphore, #tpu.memory_space<semaphore_mem>>) src(%arg11 : memref<128x128xf32, #tpu.memory_space<vmem>>) dst(%dma_wait3A_314 : memref<128x128xf32, #tpu.memory_space<vmem_shared>>)
      tpu.yield
    }) : () -> ()
    %add3A_299 = arith.constant 384 : i32
    %add3A_300 = arith.addi %mul3A_2, %add3A_299 : i32
    "tpu.region"() ({
      %run_scoped3A = tpu.sem_alloc : memref<!tpu.dma_semaphore, #tpu.memory_space<semaphore_mem>>
      %dma_start3A = arith.constant 0 : i32
      %dma_start3A_309 = tpu.memref_slice %arg7[%add3A_300, %dma_start3A] : memref<10240x128xf32, #tpu.memory_space<vmem_shared>> -> memref<128x128xf32, #tpu.memory_space<vmem_shared>>
      %dma_start3A_310 = arith.constant 0 : i32
      %dma_start3A_311 = tpu.memref_slice %arg7[%add3A_300, %dma_start3A_310] : memref<10240x128xf32, #tpu.memory_space<vmem_shared>> -> memref<128x128xf32, #tpu.memory_space<vmem_shared>>
      tpu.enqueue_dma source(%arg11 : memref<128x128xf32, #tpu.memory_space<vmem>>) target(%dma_start3A_311 : memref<128x128xf32, #tpu.memory_space<vmem_shared>>) target_semaphore(%run_scoped3A : memref<!tpu.dma_semaphore, #tpu.memory_space<semaphore_mem>>)
      %dma_wait3A = arith.constant 0 : i32
      %dma_wait3A_312 = tpu.memref_slice %arg7[%add3A_300, %dma_wait3A] : memref<10240x128xf32, #tpu.memory_space<vmem_shared>> -> memref<128x128xf32, #tpu.memory_space<vmem_shared>>
      %dma_wait3A_313 = arith.constant 0 : i32
      %dma_wait3A_314 = tpu.memref_slice %arg7[%add3A_300, %dma_wait3A_313] : memref<10240x128xf32, #tpu.memory_space<vmem_shared>> -> memref<128x128xf32, #tpu.memory_space<vmem_shared>>
      tpu.wait_dma2 semaphore(%run_scoped3A : memref<!tpu.dma_semaphore, #tpu.memory_space<semaphore_mem>>) src(%arg11 : memref<128x128xf32, #tpu.memory_space<vmem>>) dst(%dma_wait3A_314 : memref<128x128xf32, #tpu.memory_space<vmem_shared>>)
      tpu.yield
    }) : () -> ()
    %add3A_301 = arith.constant 512 : i32
    %add3A_302 = arith.addi %mul3A_2, %add3A_301 : i32
    "tpu.region"() ({
      %run_scoped3A = tpu.sem_alloc : memref<!tpu.dma_semaphore, #tpu.memory_space<semaphore_mem>>
      %dma_start3A = arith.constant 0 : i32
      %dma_start3A_309 = tpu.memref_slice %arg7[%add3A_302, %dma_start3A] : memref<10240x128xf32, #tpu.memory_space<vmem_shared>> -> memref<128x128xf32, #tpu.memory_space<vmem_shared>>
      %dma_start3A_310 = arith.constant 0 : i32
      %dma_start3A_311 = tpu.memref_slice %arg7[%add3A_302, %dma_start3A_310] : memref<10240x128xf32, #tpu.memory_space<vmem_shared>> -> memref<128x128xf32, #tpu.memory_space<vmem_shared>>
      tpu.enqueue_dma source(%arg11 : memref<128x128xf32, #tpu.memory_space<vmem>>) target(%dma_start3A_311 : memref<128x128xf32, #tpu.memory_space<vmem_shared>>) target_semaphore(%run_scoped3A : memref<!tpu.dma_semaphore, #tpu.memory_space<semaphore_mem>>)
      %dma_wait3A = arith.constant 0 : i32
      %dma_wait3A_312 = tpu.memref_slice %arg7[%add3A_302, %dma_wait3A] : memref<10240x128xf32, #tpu.memory_space<vmem_shared>> -> memref<128x128xf32, #tpu.memory_space<vmem_shared>>
      %dma_wait3A_313 = arith.constant 0 : i32
      %dma_wait3A_314 = tpu.memref_slice %arg7[%add3A_302, %dma_wait3A_313] : memref<10240x128xf32, #tpu.memory_space<vmem_shared>> -> memref<128x128xf32, #tpu.memory_space<vmem_shared>>
      tpu.wait_dma2 semaphore(%run_scoped3A : memref<!tpu.dma_semaphore, #tpu.memory_space<semaphore_mem>>) src(%arg11 : memref<128x128xf32, #tpu.memory_space<vmem>>) dst(%dma_wait3A_314 : memref<128x128xf32, #tpu.memory_space<vmem_shared>>)
      tpu.yield
    }) : () -> ()
    "tpu.region"() ({
      %run_scoped3A = tpu.sem_alloc : memref<!tpu.dma_semaphore, #tpu.memory_space<semaphore_mem>>
      %dma_start3A = tpu.memref_slice %arg8[%mul3A_2] : memref<10240xf32, #tpu.memory_space<vmem_shared>> -> memref<640xf32, #tpu.memory_space<vmem_shared>>
      %dma_start3A_309 = tpu.memref_slice %arg8[%mul3A_2] : memref<10240xf32, #tpu.memory_space<vmem_shared>> -> memref<640xf32, #tpu.memory_space<vmem_shared>>
      tpu.enqueue_dma source(%arg12 : memref<640xf32, #tpu.memory_space<vmem>>) target(%dma_start3A_309 : memref<640xf32, #tpu.memory_space<vmem_shared>>) target_semaphore(%run_scoped3A : memref<!tpu.dma_semaphore, #tpu.memory_space<semaphore_mem>>)
      %dma_wait3A = tpu.memref_slice %arg8[%mul3A_2] : memref<10240xf32, #tpu.memory_space<vmem_shared>> -> memref<640xf32, #tpu.memory_space<vmem_shared>>
      %dma_wait3A_310 = tpu.memref_slice %arg8[%mul3A_2] : memref<10240xf32, #tpu.memory_space<vmem_shared>> -> memref<640xf32, #tpu.memory_space<vmem_shared>>
      tpu.wait_dma2 semaphore(%run_scoped3A : memref<!tpu.dma_semaphore, #tpu.memory_space<semaphore_mem>>) src(%arg12 : memref<640xf32, #tpu.memory_space<vmem>>) dst(%dma_wait3A_310 : memref<640xf32, #tpu.memory_space<vmem_shared>>)
      tpu.yield
    }) : () -> ()
    "tpu.region"() ({
      %run_scoped3A = tpu.sem_alloc : memref<!tpu.dma_semaphore, #tpu.memory_space<semaphore_mem>>
      %dma_start3A = arith.constant 0 : i32
      %dma_start3A_309 = arith.constant 0 : i32
      %dma_start3A_310 = tpu.memref_slice %arg3[%add3A, %dma_start3A, %dma_start3A_309] : memref<32x79x128xi32, #tpu.memory_space<hbm>> -> memref<1x79x128xi32, #tpu.memory_space<hbm>>
      %dma_start3A_311 = tpu.memref_squeeze %dma_start3A_310 : memref<1x79x128xi32, #tpu.memory_space<hbm>> -> memref<79x128xi32, #tpu.memory_space<hbm>>
      %dma_start3A_312 = arith.constant 0 : i32
      %dma_start3A_313 = arith.constant 0 : i32
      %dma_start3A_314 = tpu.memref_slice %arg3[%add3A, %dma_start3A_312, %dma_start3A_313] : memref<32x79x128xi32, #tpu.memory_space<hbm>> -> memref<1x79x128xi32, #tpu.memory_space<hbm>>
      %dma_start3A_315 = tpu.memref_squeeze %dma_start3A_314 : memref<1x79x128xi32, #tpu.memory_space<hbm>> -> memref<79x128xi32, #tpu.memory_space<hbm>>
      tpu.enqueue_dma source(%dma_start3A_315 : memref<79x128xi32, #tpu.memory_space<hbm>>) target(%arg9 : memref<79x128xi32, #tpu.memory_space<vmem>>) target_semaphore(%run_scoped3A : memref<!tpu.dma_semaphore, #tpu.memory_space<semaphore_mem>>)
      %dma_wait3A = arith.constant 0 : i32
      %dma_wait3A_316 = arith.constant 0 : i32
      %dma_wait3A_317 = tpu.memref_slice %arg3[%add3A, %dma_wait3A, %dma_wait3A_316] : memref<32x79x128xi32, #tpu.memory_space<hbm>> -> memref<1x79x128xi32, #tpu.memory_space<hbm>>
      %dma_wait3A_318 = tpu.memref_squeeze %dma_wait3A_317 : memref<1x79x128xi32, #tpu.memory_space<hbm>> -> memref<79x128xi32, #tpu.memory_space<hbm>>
      %dma_wait3A_319 = arith.constant 0 : i32
      %dma_wait3A_320 = arith.constant 0 : i32
      %dma_wait3A_321 = tpu.memref_slice %arg3[%add3A, %dma_wait3A_319, %dma_wait3A_320] : memref<32x79x128xi32, #tpu.memory_space<hbm>> -> memref<1x79x128xi32, #tpu.memory_space<hbm>>
      %dma_wait3A_322 = tpu.memref_squeeze %dma_wait3A_321 : memref<1x79x128xi32, #tpu.memory_space<hbm>> -> memref<79x128xi32, #tpu.memory_space<hbm>>
      tpu.wait_dma2 semaphore(%run_scoped3A : memref<!tpu.dma_semaphore, #tpu.memory_space<semaphore_mem>>) src(%dma_wait3A_322 : memref<79x128xi32, #tpu.memory_space<hbm>>) dst(%arg9 : memref<79x128xi32, #tpu.memory_space<vmem>>)
      tpu.yield
    }) : () -> ()
    "tpu.region"() ({
      %run_scoped3A = tpu.sem_alloc : memref<!tpu.dma_semaphore, #tpu.memory_space<semaphore_mem>>
      %dma_start3A = arith.constant 0 : i32
      %dma_start3A_309 = arith.constant 0 : i32
      %dma_start3A_310 = tpu.memref_slice %arg4[%add3A, %dma_start3A, %dma_start3A_309] : memref<32x79x128xi32, #tpu.memory_space<hbm>> -> memref<1x79x128xi32, #tpu.memory_space<hbm>>
      %dma_start3A_311 = tpu.memref_squeeze %dma_start3A_310 : memref<1x79x128xi32, #tpu.memory_space<hbm>> -> memref<79x128xi32, #tpu.memory_space<hbm>>
      %dma_start3A_312 = arith.constant 0 : i32
      %dma_start3A_313 = arith.constant 0 : i32
      %dma_start3A_314 = tpu.memref_slice %arg4[%add3A, %dma_start3A_312, %dma_start3A_313] : memref<32x79x128xi32, #tpu.memory_space<hbm>> -> memref<1x79x128xi32, #tpu.memory_space<hbm>>
      %dma_start3A_315 = tpu.memref_squeeze %dma_start3A_314 : memref<1x79x128xi32, #tpu.memory_space<hbm>> -> memref<79x128xi32, #tpu.memory_space<hbm>>
      tpu.enqueue_dma source(%dma_start3A_315 : memref<79x128xi32, #tpu.memory_space<hbm>>) target(%arg10 : memref<79x128xi32, #tpu.memory_space<vmem>>) target_semaphore(%run_scoped3A : memref<!tpu.dma_semaphore, #tpu.memory_space<semaphore_mem>>)
      %dma_wait3A = arith.constant 0 : i32
      %dma_wait3A_316 = arith.constant 0 : i32
      %dma_wait3A_317 = tpu.memref_slice %arg4[%add3A, %dma_wait3A, %dma_wait3A_316] : memref<32x79x128xi32, #tpu.memory_space<hbm>> -> memref<1x79x128xi32, #tpu.memory_space<hbm>>
      %dma_wait3A_318 = tpu.memref_squeeze %dma_wait3A_317 : memref<1x79x128xi32, #tpu.memory_space<hbm>> -> memref<79x128xi32, #tpu.memory_space<hbm>>
      %dma_wait3A_319 = arith.constant 0 : i32
      %dma_wait3A_320 = arith.constant 0 : i32
      %dma_wait3A_321 = tpu.memref_slice %arg4[%add3A, %dma_wait3A_319, %dma_wait3A_320] : memref<32x79x128xi32, #tpu.memory_space<hbm>> -> memref<1x79x128xi32, #tpu.memory_space<hbm>>
      %dma_wait3A_322 = tpu.memref_squeeze %dma_wait3A_321 : memref<1x79x128xi32, #tpu.memory_space<hbm>> -> memref<79x128xi32, #tpu.memory_space<hbm>>
      tpu.wait_dma2 semaphore(%run_scoped3A : memref<!tpu.dma_semaphore, #tpu.memory_space<semaphore_mem>>) src(%dma_wait3A_322 : memref<79x128xi32, #tpu.memory_space<hbm>>) dst(%arg10 : memref<79x128xi32, #tpu.memory_space<vmem>>)
      tpu.yield
    }) : () -> ()
    %barrier3A = arith.constant 0 : index
    tpu.barrier barrier_id(%barrier3A)
    %scan3A_303 = arith.constant 0 : i32
    %scan3A_304 = arith.constant 79 : i32
    %scan3A_305 = arith.addi %scan3A_303, %scan3A_304 : i32
    %scan3A_306 = arith.constant 1 : i32
    scf.for %scan3A_309 = %scan3A_303 to %scan3A_305 step %scan3A_306  : i32 {
      %dma_start3A = arith.constant 0 : i32
      %dma_start3A_310 = tpu.memref_slice %arg10[%scan3A_309, %dma_start3A] : memref<79x128xi32, #tpu.memory_space<vmem>> -> memref<1x128xi32, #tpu.memory_space<vmem>>
      %dma_start3A_311 = tpu.memref_squeeze %dma_start3A_310 : memref<1x128xi32, #tpu.memory_space<vmem>> -> memref<128xi32, #tpu.memory_space<vmem>>
      %dma_start3A_312 = arith.constant 0 : i32
      %dma_start3A_313 = arith.constant 0 : i32
      %dma_start3A_314 = tpu.memref_slice %arg2[%dma_start3A_312, %dma_start3A_313] : memref<20000x128xf32, #tpu.memory_space<hbm>> -> memref<20000x128xf32, #tpu.memory_space<hbm>>
      tpu.enqueue_indirect_dma source(%dma_start3A_314 : memref<20000x128xf32, #tpu.memory_space<hbm>>) target(%arg11 : memref<128x128xf32, #tpu.memory_space<vmem>>) offsets(%dma_start3A_311 : memref<128xi32, #tpu.memory_space<vmem>>) semaphore(%arg14 : memref<!tpu.dma_semaphore, #tpu.memory_space<semaphore_mem>>)
      "tpu.region"() ({
        %run_scoped3A = tpu.sem_alloc : memref<!tpu.dma_semaphore, #tpu.memory_space<semaphore_mem>>
        %dma_start3A_320 = arith.constant 0 : i32
        %dma_start3A_321 = tpu.memref_slice %arg9[%scan3A_309, %dma_start3A_320] : memref<79x128xi32, #tpu.memory_space<vmem>> -> memref<1x128xi32, #tpu.memory_space<vmem>>
        %dma_start3A_322 = tpu.memref_squeeze %dma_start3A_321 : memref<1x128xi32, #tpu.memory_space<vmem>> -> memref<128xi32, #tpu.memory_space<vmem>>
        %dma_start3A_323 = arith.constant 0 : i32
        %dma_start3A_324 = tpu.memref_slice %arg8[%dma_start3A_323] : memref<10240xf32, #tpu.memory_space<vmem_shared>> -> memref<10240xf32, #tpu.memory_space<vmem_shared>>
        tpu.enqueue_indirect_dma source(%arg13 : memref<128xf32, #tpu.memory_space<vmem>>) target(%dma_start3A_324 : memref<10240xf32, #tpu.memory_space<vmem_shared>>) offsets(%dma_start3A_322 : memref<128xi32, #tpu.memory_space<vmem>>) semaphore(%run_scoped3A : memref<!tpu.dma_semaphore, #tpu.memory_space<semaphore_mem>>) {add = true}
        %dma_wait3A_325 = arith.constant 0 : i32
        %dma_wait3A_326 = tpu.memref_slice %arg9[%scan3A_309, %dma_wait3A_325] : memref<79x128xi32, #tpu.memory_space<vmem>> -> memref<1x128xi32, #tpu.memory_space<vmem>>
        %dma_wait3A_327 = tpu.memref_squeeze %dma_wait3A_326 : memref<1x128xi32, #tpu.memory_space<vmem>> -> memref<128xi32, #tpu.memory_space<vmem>>
        %dma_wait3A_328 = arith.constant 0 : i32
        %dma_wait3A_329 = tpu.memref_slice %arg8[%dma_wait3A_328] : memref<10240xf32, #tpu.memory_space<vmem_shared>> -> memref<10240xf32, #tpu.memory_space<vmem_shared>>
        tpu.wait_indirect_dma semaphore(%run_scoped3A : memref<!tpu.dma_semaphore, #tpu.memory_space<semaphore_mem>>) src(%arg13 : memref<128xf32, #tpu.memory_space<vmem>>) dst(%dma_wait3A_329 : memref<10240xf32, #tpu.memory_space<vmem_shared>>)
        tpu.yield
      }) : () -> ()
      %dma_wait3A = arith.constant 0 : i32
      %dma_wait3A_315 = tpu.memref_slice %arg10[%scan3A_309, %dma_wait3A] : memref<79x128xi32, #tpu.memory_space<vmem>> -> memref<1x128xi32, #tpu.memory_space<vmem>>
      %dma_wait3A_316 = tpu.memref_squeeze %dma_wait3A_315 : memref<1x128xi32, #tpu.memory_space<vmem>> -> memref<128xi32, #tpu.memory_space<vmem>>
      %dma_wait3A_317 = arith.constant 0 : i32
      %dma_wait3A_318 = arith.constant 0 : i32
      %dma_wait3A_319 = tpu.memref_slice %arg2[%dma_wait3A_317, %dma_wait3A_318] : memref<20000x128xf32, #tpu.memory_space<hbm>> -> memref<20000x128xf32, #tpu.memory_space<hbm>>
      tpu.wait_indirect_dma semaphore(%arg14 : memref<!tpu.dma_semaphore, #tpu.memory_space<semaphore_mem>>) src(%dma_wait3A_319 : memref<20000x128xf32, #tpu.memory_space<hbm>>) dst(%arg11 : memref<128x128xf32, #tpu.memory_space<vmem>>)
      "tpu.region"() ({
        %run_scoped3A = tpu.sem_alloc : memref<!tpu.dma_semaphore, #tpu.memory_space<semaphore_mem>>
        %dma_start3A_320 = arith.constant 0 : i32
        %dma_start3A_321 = tpu.memref_slice %arg9[%scan3A_309, %dma_start3A_320] : memref<79x128xi32, #tpu.memory_space<vmem>> -> memref<1x128xi32, #tpu.memory_space<vmem>>
        %dma_start3A_322 = tpu.memref_squeeze %dma_start3A_321 : memref<1x128xi32, #tpu.memory_space<vmem>> -> memref<128xi32, #tpu.memory_space<vmem>>
        %dma_start3A_323 = arith.constant 0 : i32
        %dma_start3A_324 = arith.constant 0 : i32
        %dma_start3A_325 = tpu.memref_slice %arg7[%dma_start3A_323, %dma_start3A_324] : memref<10240x128xf32, #tpu.memory_space<vmem_shared>> -> memref<10240x128xf32, #tpu.memory_space<vmem_shared>>
        tpu.enqueue_indirect_dma source(%arg11 : memref<128x128xf32, #tpu.memory_space<vmem>>) target(%dma_start3A_325 : memref<10240x128xf32, #tpu.memory_space<vmem_shared>>) offsets(%dma_start3A_322 : memref<128xi32, #tpu.memory_space<vmem>>) semaphore(%run_scoped3A : memref<!tpu.dma_semaphore, #tpu.memory_space<semaphore_mem>>) {add = true}
        %dma_wait3A_326 = arith.constant 0 : i32
        %dma_wait3A_327 = tpu.memref_slice %arg9[%scan3A_309, %dma_wait3A_326] : memref<79x128xi32, #tpu.memory_space<vmem>> -> memref<1x128xi32, #tpu.memory_space<vmem>>
        %dma_wait3A_328 = tpu.memref_squeeze %dma_wait3A_327 : memref<1x128xi32, #tpu.memory_space<vmem>> -> memref<128xi32, #tpu.memory_space<vmem>>
        %dma_wait3A_329 = arith.constant 0 : i32
        %dma_wait3A_330 = arith.constant 0 : i32
        %dma_wait3A_331 = tpu.memref_slice %arg7[%dma_wait3A_329, %dma_wait3A_330] : memref<10240x128xf32, #tpu.memory_space<vmem_shared>> -> memref<10240x128xf32, #tpu.memory_space<vmem_shared>>
        tpu.wait_indirect_dma semaphore(%run_scoped3A : memref<!tpu.dma_semaphore, #tpu.memory_space<semaphore_mem>>) src(%arg11 : memref<128x128xf32, #tpu.memory_space<vmem>>) dst(%dma_wait3A_331 : memref<10240x128xf32, #tpu.memory_space<vmem_shared>>)
        tpu.yield
      }) : () -> ()
    }
    %scan3A_307 = arith.constant 79 : i32
    %barrier3A_308 = arith.constant 0 : index
    tpu.barrier barrier_id(%barrier3A_308)
    "tpu.region"() ({
      %run_scoped3A = tpu.sem_alloc : memref<!tpu.dma_semaphore, #tpu.memory_space<semaphore_mem>>
      %dma_start3A = arith.constant 0 : i32
      %dma_start3A_309 = tpu.memref_slice %arg5[%arg0, %mul3A_2, %dma_start3A] : memref<2x10240x128xf32, #tpu.memory_space<hbm>> -> memref<1x640x128xf32, #tpu.memory_space<hbm>>
      %dma_start3A_310 = tpu.memref_squeeze %dma_start3A_309 : memref<1x640x128xf32, #tpu.memory_space<hbm>> -> memref<640x128xf32, #tpu.memory_space<hbm>>
      %dma_start3A_311 = arith.constant 0 : i32
      %dma_start3A_312 = tpu.memref_slice %arg7[%mul3A_2, %dma_start3A_311] : memref<10240x128xf32, #tpu.memory_space<vmem_shared>> -> memref<640x128xf32, #tpu.memory_space<vmem_shared>>
      tpu.enqueue_dma source(%dma_start3A_312 : memref<640x128xf32, #tpu.memory_space<vmem_shared>>) target(%dma_start3A_310 : memref<640x128xf32, #tpu.memory_space<hbm>>) target_semaphore(%run_scoped3A : memref<!tpu.dma_semaphore, #tpu.memory_space<semaphore_mem>>)
      %dma_wait3A = arith.constant 0 : i32
      %dma_wait3A_313 = tpu.memref_slice %arg5[%arg0, %mul3A_2, %dma_wait3A] : memref<2x10240x128xf32, #tpu.memory_space<hbm>> -> memref<1x640x128xf32, #tpu.memory_space<hbm>>
      %dma_wait3A_314 = tpu.memref_squeeze %dma_wait3A_313 : memref<1x640x128xf32, #tpu.memory_space<hbm>> -> memref<640x128xf32, #tpu.memory_space<hbm>>
      %dma_wait3A_315 = arith.constant 0 : i32
      %dma_wait3A_316 = tpu.memref_slice %arg7[%mul3A_2, %dma_wait3A_315] : memref<10240x128xf32, #tpu.memory_space<vmem_shared>> -> memref<640x128xf32, #tpu.memory_space<vmem_shared>>
      tpu.wait_dma2 semaphore(%run_scoped3A : memref<!tpu.dma_semaphore, #tpu.memory_space<semaphore_mem>>) src(%dma_wait3A_316 : memref<640x128xf32, #tpu.memory_space<vmem_shared>>) dst(%dma_wait3A_314 : memref<640x128xf32, #tpu.memory_space<hbm>>)
      tpu.yield
    }) : () -> ()
    "tpu.region"() ({
      %run_scoped3A = tpu.sem_alloc : memref<!tpu.dma_semaphore, #tpu.memory_space<semaphore_mem>>
      %dma_start3A = tpu.memref_slice %arg6[%arg0, %mul3A_2] : memref<2x10240xf32, #tpu.memory_space<hbm>> -> memref<1x640xf32, #tpu.memory_space<hbm>>
      %dma_start3A_309 = tpu.memref_squeeze %dma_start3A : memref<1x640xf32, #tpu.memory_space<hbm>> -> memref<640xf32, #tpu.memory_space<hbm>>
      %dma_start3A_310 = tpu.memref_slice %arg8[%mul3A_2] : memref<10240xf32, #tpu.memory_space<vmem_shared>> -> memref<640xf32, #tpu.memory_space<vmem_shared>>
      tpu.enqueue_dma source(%dma_start3A_310 : memref<640xf32, #tpu.memory_space<vmem_shared>>) target(%dma_start3A_309 : memref<640xf32, #tpu.memory_space<hbm>>) target_semaphore(%run_scoped3A : memref<!tpu.dma_semaphore, #tpu.memory_space<semaphore_mem>>)
      %dma_wait3A = tpu.memref_slice %arg6[%arg0, %mul3A_2] : memref<2x10240xf32, #tpu.memory_space<hbm>> -> memref<1x640xf32, #tpu.memory_space<hbm>>
      %dma_wait3A_311 = tpu.memref_squeeze %dma_wait3A : memref<1x640xf32, #tpu.memory_space<hbm>> -> memref<640xf32, #tpu.memory_space<hbm>>
      %dma_wait3A_312 = tpu.memref_slice %arg8[%mul3A_2] : memref<10240xf32, #tpu.memory_space<vmem_shared>> -> memref<640xf32, #tpu.memory_space<vmem_shared>>
      tpu.wait_dma2 semaphore(%run_scoped3A : memref<!tpu.dma_semaphore, #tpu.memory_space<semaphore_mem>>) src(%dma_wait3A_312 : memref<640xf32, #tpu.memory_space<vmem_shared>>) dst(%dma_wait3A_311 : memref<640xf32, #tpu.memory_space<hbm>>)
      tpu.yield
    }) : () -> ()
    return
  }
}

module attributes {stable_mosaic.version = 14 : i64} {
  func.func @_tc_body(%arg0: i32, %arg1: memref<2x1024x128xf32, #tpu.memory_space<vmem>>, %arg2: memref<2x1024xf32, #tpu.memory_space<vmem>>, %arg3: memref<128x128xf32, #tpu.memory_space<vmem>>, %arg4: memref<1x128xf32, #tpu.memory_space<vmem>>, %arg5: memref<1024x128xf32, #tpu.memory_space<vmem>>) attributes {dimension_semantics = [#tpu.dimension_semantics<arbitrary>], iteration_bounds = array<i64: 10>, scalar_prefetch = 0 : i64, scratch_operands = 0 : i64, tpu.core_type = #tpu.core_type<tc>, window_params = [{transform_indices = @transform_0, window_bounds = array<i64: 2, 1024, 128>}, {transform_indices = @transform_1, window_bounds = array<i64: 2, 1024>}, {pipeline_mode = #tpu.pipeline_mode<synchronous>, transform_indices = @transform_2, window_bounds = array<i64: 128, 128>}, {pipeline_mode = #tpu.pipeline_mode<synchronous>, transform_indices = @transform_3, window_bounds = array<i64: 1, 128>}, {transform_indices = @transform_4, window_bounds = array<i64: 1024, 128>}]} {
    %get3A = arith.constant 0 : index
    %get3A_0 = arith.constant 0 : index
    %get3A_1 = arith.constant 0 : index
    %get3A_2 = vector.load %arg1[%get3A, %get3A_0, %get3A_1] : memref<2x1024x128xf32, #tpu.memory_space<vmem>>, vector<1x1024x128xf32>
    %get3A_3 = vector.shape_cast %get3A_2 : vector<1x1024x128xf32> to vector<1024x128xf32>
    %get3A_4 = arith.constant 1 : index
    %get3A_5 = arith.constant 0 : index
    %get3A_6 = arith.constant 0 : index
    %get3A_7 = vector.load %arg1[%get3A_4, %get3A_5, %get3A_6] : memref<2x1024x128xf32, #tpu.memory_space<vmem>>, vector<1x1024x128xf32>
    %get3A_8 = vector.shape_cast %get3A_7 : vector<1x1024x128xf32> to vector<1024x128xf32>
    %add3A = arith.addf %get3A_3, %get3A_8 : vector<1024x128xf32>
    %get3A_9 = arith.constant 0 : index
    %get3A_10 = arith.constant 0 : index
    %get3A_11 = vector.load %arg2[%get3A_9, %get3A_10] : memref<2x1024xf32, #tpu.memory_space<vmem>>, vector<1x1024xf32>
    %get3A_12 = vector.shape_cast %get3A_11 : vector<1x1024xf32> to vector<1024xf32>
    %get3A_13 = arith.constant 1 : index
    %get3A_14 = arith.constant 0 : index
    %get3A_15 = vector.load %arg2[%get3A_13, %get3A_14] : memref<2x1024xf32, #tpu.memory_space<vmem>>, vector<1x1024xf32>
    %get3A_16 = vector.shape_cast %get3A_15 : vector<1x1024xf32> to vector<1024xf32>
    %add3A_17 = arith.addf %get3A_12, %get3A_16 : vector<1024xf32>
    %add3A_18 = arith.constant 9.99999997E-7 : f32
    %add3A_19 = vector.broadcast %add3A_18 : f32 to vector<1024xf32>
    %add3A_20 = arith.addf %add3A_17, %add3A_19 : vector<1024xf32>
    %broadcast_in_dim3A = vector.shape_cast %add3A_20 : vector<1024xf32> to vector<1024x1xf32>
    %div3A = vector.broadcast %broadcast_in_dim3A : vector<1024x1xf32> to vector<1024x128xf32>
    %div3A_21 = arith.divf %add3A, %div3A : vector<1024x128xf32>
    %get3A_22 = arith.constant 0 : index
    %get3A_23 = arith.constant 0 : index
    %get3A_24 = vector.load %arg3[%get3A_22, %get3A_23] : memref<128x128xf32, #tpu.memory_space<vmem>>, vector<128x128xf32>
    %dot_general3A = arith.constant dense<0.000000e+00> : vector<1024x128xf32>
    %dot_general3A_25 = tpu.matmul %div3A_21, %get3A_24, %dot_general3A {dimension_numbers = #tpu.dot_dimension_numbers<[1], [1], [0], [0], [0, 0, 1, 0], [], []>, transpose_lhs_hint = false} : vector<1024x128xf32>, vector<128x128xf32>, vector<1024x128xf32> -> vector<1024x128xf32>
    %get3A_26 = arith.constant 0 : index
    %get3A_27 = arith.constant 0 : index
    %get3A_28 = vector.load %arg4[%get3A_26, %get3A_27] : memref<1x128xf32, #tpu.memory_space<vmem>>, vector<1x128xf32>
    %add3A_29 = vector.broadcast %get3A_28 : vector<1x128xf32> to vector<1024x128xf32>
    %add3A_30 = arith.addf %dot_general3A_25, %add3A_29 : vector<1024x128xf32>
    %swap3A = arith.constant 0 : index
    %swap3A_31 = arith.constant 0 : index
    %swap3A_32 = vector.load %arg5[%swap3A, %swap3A_31] : memref<1024x128xf32, #tpu.memory_space<vmem>>, vector<1024x128xf32>
    tpu.vector_store %arg5[%swap3A, %swap3A_31], %add3A_30 {strides = array<i32>} : memref<1024x128xf32, #tpu.memory_space<vmem>>, vector<1024x128xf32>,
    return
  }
  func.func @transform_0(%arg0: i32) -> (i32, i32, i32) {
    %c0_i32 = arith.constant 0 : i32
    %c0_i32_0 = arith.constant 0 : i32
    %c0_i32_1 = arith.constant 0 : i32
    return %c0_i32, %arg0, %c0_i32_0 : i32, i32, i32
  }
  func.func @transform_1(%arg0: i32) -> (i32, i32) {
    %c0_i32 = arith.constant 0 : i32
    %c0_i32_0 = arith.constant 0 : i32
    return %c0_i32, %arg0 : i32, i32
  }
  func.func @transform_2(%arg0: i32) -> (i32, i32) {
    %c0_i32 = arith.constant 0 : i32
    %c0_i32_0 = arith.constant 0 : i32
    %c0_i32_1 = arith.constant 0 : i32
    return %c0_i32, %c0_i32_0 : i32, i32
  }
  func.func @transform_3(%arg0: i32) -> (i32, i32) {
    %c0_i32 = arith.constant 0 : i32
    %c0_i32_0 = arith.constant 0 : i32
    %c0_i32_1 = arith.constant 0 : i32
    return %c0_i32, %c0_i32_0 : i32, i32
  }
  func.func @transform_4(%arg0: i32) -> (i32, i32) {
    %c0_i32 = arith.constant 0 : i32
    %c0_i32_0 = arith.constant 0 : i32
    return %arg0, %c0_i32 : i32, i32
  }
}

</mosaic_0001>

<sc_bundles>
// kernel: kernel.4.cloned.1.call-start
scs
__scs_entry_jumppad:
0x0: {  	(pc) =	sbr.rel $0x88, $3  }
0x1: {  	(tag) =	ssettag $0x0;
	lr =	simm.s32 $0x1  }
0x2: {  	[smem:$0x3F9D] =	sst lr;
	_ =	strace $0xD0000000  }
0x3: {  	_ = 	snop  }
0x4: {  	_ = 	snop  }
0x5: {  	_ = 	snop  }
0x6: {  	_ = 	snop  }
0x7: {  	_ = 	snop  }
__scs_overlays_trampoline_lowered:
0x8: {  	[smem:$0x3FAC] =	sst s0  }
0x9: {  	[smem:$0x3FAD] =	sst s1  }
0xa: {  	[smem:$0x3FAE] =	sst s2  }
0xb: {  	[smem:$0x3FAF] =	sst s3  }
0xc: {  	[smem:$0x3FB0] =	sst s4  }
0xd: {  	[smem:$0x3FB1] =	sst s5  }
0xe: {  	[smem:$0x3FB2] =	sst s6  }
0xf: {  	[smem:$0x3FB3] =	sst s7  }
0x10: {  	[smem:$0x3FB4] =	sst s8  }
0x11: {  	[smem:$0x3FB5] =	sst s9;
	s0 =	simm.s32 @!p0 $0x0  }
0x12: {  	s1 =	sld [smem:$0x3F9B];
	s0 =	simm.s32 @p0 $0x1  }
0x13: {  	[smem:$0x3FB6] =	sst s0;
	s0 =	simm.s32 @!p1 $0x0  }
0x14: {  	s2 =	sld [smem:$0x3F9A];
	s0 =	simm.s32 @p1 $0x1  }
0x15: {  	[smem:$0x3FB7] =	sst s0;
	s0 =	simm.s32 @!p2 $0x0  }
0x16: {  	s3 =	sld [smem:$0x3FDB];
	s0 =	simm.s32 @p2 $0x1  }
0x17: {  	s4 =	simm.s32 $0x1BF5;
	[smem:$0x3FB9] =	sst s0  }
0x18: {  	s0 =	sld [smem:$0x3F9C];
	_ =	swait.ge [sflag:s4], $0x0  }
0x19: {  	s7 =	sld [smem:$0x3F9D]  }
0x1a: {  	s8 =	sadd.s32 $0xFFFFE003, lr  }
0x1b: {  	s9 =	sadd.s32 $0xFFFFFEF7, lr;
	s5 =	simm.s32 $0xFFFFFFFF;
	p2 =	slt.u32 s8, $0xFFFFF086  }
0x1c: {  	p1 =	slt.u32 s9, $0xF7A;
	s5 =	simm.s32 @!p2 $0x0  }
0x1d: {  	s5 =	simm.s32 @p1 $0x1;
	p0 =	seq.s32 s7, s2  }
0x1e: {  	s7 =	smul.u32 @!p0 $0xF7A, s2;
	p2 =	seq.s32 @!p0 s5, $0x0  }
0x1f: {  	s9 =	smul.u32 $0xF7A, s1;
	s8 =	simm.s32 @!p0 $0x1BF5;
	p2 =	por !p2, p0  }
0x20: {  	[sflag:s8] =	ssyncset.s32 @!p0 $0xFFFFF086;
	s6 =	sadd.s32 @!p0 s3, s7;
	s7 =	simm.s32 @!p0 $0x108  }
0x21: {  	s3 =	sadd.s32 s3, s9;
	s6 =	sadd.s32 @!p0 $0x88, s6;
	s7 =	simm.s32 @p2 $0x1082  }
0x22: {  	[simem:s7], [sflag:s8] =	dma.local @!p0 [hbm:s6], $0xF7A  }
0x23: {  	s9 =	sor.u32 $0xD0000000, s2;
	s6 =	simm.s32 $0x108;
	_ =	swait.ge @!p0 [sflag:s8], $0x0  }
0x24: {  	s3 =	sadd.s32 $0x88, s3;
	s6 =	simm.s32 @!p1 $0x1082;
	[sflag:s4] =	ssyncset.s32 $0xFFFFF086  }
0x25: {  	[simem:s6], [sflag:s4] =	dma.local [hbm:s3], $0xF7A  }
0x26: {  	[smem:$0x3F9D] =	sst s1;
	(tag) =	ssettag s2;
	_ =	strace s9  }
0x27: {  	s1 =	sld [smem:$0x3FAD]  }
0x28: {  	s2 =	sld [smem:$0x3FAE]  }
0x29: {  	s4 =	sld [smem:$0x3FB0]  }
0x2a: {  	p0 =	seq.s32 s5, $0x0;
	s5 =	sld [smem:$0x3FB1]  }
0x2b: {  	s6 =	sld [smem:$0x3FB2]  }
0x2c: {  	s7 =	sld [smem:$0x3FB3]  }
0x2d: {  	s3 =	simm.s32 $0x108;
	s8 =	sld [smem:$0x3FB4]  }
0x2e: {  	s3 =	simm.s32 @!p0 $0x1082;
	s9 =	sld [smem:$0x3FB5]  }
0x2f: {  	lr =	sadd.s32 s0, s3;
	s0 =	sld [smem:$0x3FAC]  }
0x30: {  	s3 =	sld [smem:$0x3FAF]  }
0x31: {  	[smem:$0x3FB8] =	sst s10  }
0x32: {  	s10 =	sld [smem:$0x3FB6];
	_ =	sdelay $0x3  }
0x33: {  	p0 =	seq.s32 s10, $0x1;
	s10 =	sld [smem:$0x3FB8];
	_ =	sdelay $0x3  }
0x34: {  	[smem:$0x3FB8] =	sst s10  }
0x35: {  	s10 =	sld [smem:$0x3FB7];
	_ =	sdelay $0x3  }
0x36: {  	p1 =	seq.s32 s10, $0x1;
	s10 =	sld [smem:$0x3FB8];
	_ =	sdelay $0x3  }
0x37: {  	[smem:$0x3FB8] =	sst s10  }
0x38: {  	s10 =	sld [smem:$0x3FB9]  }
0x39: {  	_ = 	snop;
	(pc) =	sbr.ind lr, $3  }
0x3a: {  	_ = 	snop  }
0x3b: {  	_ = 	snop  }
0x3c: {  	p2 =	seq.s32 s10, $0x1;
	s10 =	sld [smem:$0x3FB8]  }
0x3d: {  	_ =	shalt  }
0x3e: {  	_ =	shalt  }
0x3f: {  	_ =	shalt  }
0x40: {  	_ =	shalt  }
0x41: {  	_ =	shalt  }
0x42: {  	_ =	shalt  }
0x43: {  	_ =	shalt  }
0x44: {  	_ =	shalt  }
0x45: {  	_ =	shalt  }
0x46: {  	_ =	shalt  }
0x47: {  	_ =	shalt  }
0x48: {  	_ =	shalt  }
0x49: {  	_ =	shalt  }
0x4a: {  	_ =	shalt  }
0x4b: {  	_ =	shalt  }
0x4c: {  	_ =	shalt  }
0x4d: {  	_ =	shalt  }
0x4e: {  	_ =	shalt  }
0x4f: {  	_ =	shalt  }
0x50: {  	_ =	shalt  }
0x51: {  	_ =	shalt  }
0x52: {  	_ =	shalt  }
0x53: {  	_ =	shalt  }
0x54: {  	_ =	shalt  }
0x55: {  	_ =	shalt  }
0x56: {  	_ =	shalt  }
0x57: {  	_ =	shalt  }
0x58: {  	_ =	shalt  }
0x59: {  	_ =	shalt  }
0x5a: {  	_ =	shalt  }
0x5b: {  	_ =	shalt  }
0x5c: {  	_ =	shalt  }
0x5d: {  	_ =	shalt  }
0x5e: {  	_ =	shalt  }
0x5f: {  	_ =	shalt  }
0x60: {  	_ =	shalt  }
0x61: {  	_ =	shalt  }
0x62: {  	_ =	shalt  }
0x63: {  	_ =	shalt  }
0x64: {  	_ =	shalt  }
0x65: {  	_ =	shalt  }
0x66: {  	_ =	shalt  }
0x67: {  	_ =	shalt  }
0x68: {  	_ =	shalt  }
0x69: {  	_ =	shalt  }
0x6a: {  	_ =	shalt  }
0x6b: {  	_ =	shalt  }
0x6c: {  	_ =	shalt  }
0x6d: {  	_ =	shalt  }
0x6e: {  	_ =	shalt  }
0x6f: {  	_ =	shalt  }
0x70: {  	_ =	shalt  }
0x71: {  	_ =	shalt  }
0x72: {  	_ =	shalt  }
0x73: {  	_ =	shalt  }
0x74: {  	_ =	shalt  }
0x75: {  	_ =	shalt  }
0x76: {  	_ =	shalt  }
0x77: {  	_ =	shalt  }
0x78: {  	_ =	shalt  }
0x79: {  	_ =	shalt  }
0x7a: {  	_ =	shalt  }
0x7b: {  	_ =	shalt  }
0x7c: {  	_ =	shalt  }
0x7d: {  	_ =	shalt  }
0x7e: {  	_ =	shalt  }
0x7f: {  	_ =	shalt  }
0x80: {  	_ =	shalt  }
0x81: {  	_ =	shalt  }
0x82: {  	_ =	shalt  }
0x83: {  	_ =	shalt  }
0x84: {  	_ =	shalt  }
0x85: {  	_ =	shalt  }
0x86: {  	_ =	shalt  }
0x87: {  	_ =	shalt  }
.Lfunc_end0:
.L_simem_size_0:
called_computation_lowered:
.L_overlay_start_0:
0x88: {  	s2 =	sld [smem:$0x3FD9]  }
0x89: {  	s3 =	sld [smem:$0x3FFE];
	_ =	sdelay $0x1  }
0x8a: {  	s1 =	srdreg.scid  }
0x8b: {  	s0 =	sand.u32 $0x1, s1  }
0x8c: {  	s17 =	sshll.u32 s0, $0xA;
	s2 =	sadd.s32 s3, s2  }
0x8d: {  	s2 =	sadd.s32 s2, s17  }
0x8e: {  	[smem:$0x3FC4] =	sst s2  }
0x8f: {  	_ = 	snop  }
0x90: {  	s2 =	sld [smem:$0x3FD0];
	(tm) =	ssettm $0x1  }
0x91: {  	s18 =	sld [smem:$0x3FFB];
	_ =	sdelay $0x3  }
0x92: {  	_ =	strace s18  }
0x93: {  	s3 =	sld [smem:$0x3FFC];
	_ =	sdelay $0x3  }
0x94: {  	_ =	strace s3  }
0x95: {  	s3 =	sld [smem:$0x3FFD];
	_ =	sdelay $0x3  }
0x96: {  	_ =	strace s3  }
0x97: {  	_ =	strace $0x8FFFFFFF  }
0x98: {  	s19 =	sld [smem:$0x3FDB];
	_ =	sdelay $0x1  }
0x99: {  	s4 =	simm.s32 $_scs_section_size  }
0x9a: {  	s5 =	simm.s32 $_size__tile_overlayer_lowered;
	s6 =	simm.s32 $_tile_overlayer_lowered  }
0x9b: {  	s22 =	simm.s32 $0x1BFF;
	s21 =	sshll.u32 s6, $0x1;
	s3 =	sadd.s32 s4, s19  }
0x9c: {  	s7 =	simm.s32 $0x0;
	s20 =	sshll.u32 s5, $0x1;
	s5 =	sadd.s32 s21, s3  }
0x9d: {  	[timem:s7], [sflag:s22] =	dma.local [hbm:s5], s20  }
0x9e: {  	_ =	swait.ge [sflag:s22], s20  }
0x9f: {  	s4 =	ssub.s32 $0x0, s20;
	[sflag:s22] =	ssyncset.done $0x0  }
0xa0: {  	[sflag:s22] =	ssyncadd.s32 s4;
	_ =	sdelay $0x1  }
0xa1: {  	s23 =	simm.s32 $0x1B8B  }
0xa2: {  	_ =	swait.ge [sflag:s23], $0x1  }
0xa3: {  	[sflag:s23] =	ssyncset.done $0x0  }
0xa4: {  	s25 =	simm.s32 $0x1B8E;
	s24 =	sld [smem:$0x3FFE];
	[sflag:s23] =	ssyncadd.s32 $0xFFFFFFFF  }
0xa5: {  	s26 =	simm.s32 $execute0_lowered;
	[smem:$0x3FD2] =	sst s25  }
0xa6: {  	s5 =	sshll.u32 s26, $0x1;
	_ =	strace $0x80000046;
	[dreg:$0x1] =	wrdreg $0xFFFFFFFF  }
0xa7: {  	s28 =	simm.s32 $_size_execute0_lowered;
	s3 =	sadd.s32 s3, s5;
	[dreg:$0x0] =	wrdreg $0x0  }
0xa8: {  	s5 =	sshll.u32 s28, $0x1;
	[dreg:$0x2] =	wrdreg s3  }
0xa9: {  	[dreg:$0x3] =	wrdreg s5  }
0xaa: {  	[dreg:$0x4] =	wrdreg $0xC0  }
0xab: {  	_ =	task [dreg:s7], $0x5FFFF  }
0xac: {  	[dreg:$0x1] =	wrdreg $0xFFFFFFFF  }
0xad: {  	[dreg:$0x0] =	wrdreg $0x60  }
0xae: {  	[dreg:$0x2] =	wrdreg s24  }
0xaf: {  	[dreg:$0x3] =	wrdreg s2  }
0xb0: {  	[dreg:$0x4] =	wrdreg $0x0  }
0xb1: {  	[dreg:$0x5] =	wrdreg $0x140000  }
0xb2: {  	[dreg:$0x6] =	wrdreg $0x9  }
0xb3: {  	_ =	task.clear_ibuf [dreg:s7], $0x7FFFF;
	_ =	strace $0x90000046  }
0xb4: {  	s29 =	simm.s32 $0x9;
	_ =	strace $0x80000048  }
0xb5: {  	_ =	swait.ge [sflag:s29], $0x1  }
0xb6: {  	[sflag:s29] =	ssyncadd.s32 $0xFFFFFFFF  }
0xb7: {  	_ =	strace $0x90000048  }
0xb8: {  	_ =	sfence  }
0xb9: {  	s30 =	sld [smem:$0x0];
	_ =	sdelay $0x2  }
0xba: {  	s31 =	sshll.u32 s1, $0xD;
	s1 =	sshrl.u32 s1, $0x2  }
0xbb: {  	s3 =	sand.u32 $0x4000, s31;
	s1 =	sadd.s32 s1, s30  }
0xbc: {  	s0 =	sor.u32 s3, s0;
	s1 =	sshll.u32 s1, $0x11  }
0xbd: {  	s0 =	sor.u32 s1, s0  }
0xbe: {  	s0 =	sadd.s32 $0x8F2B, s0  }
0xbf: {  	[sflag:s0] =	ssyncadd.remote.s32 $0x1  }
0xc0: {  	_ =	sfence.sel $0xFFFF  }
0xc1: {  	[dreg:$0x0] =	wrdreg $0xFFFFFFFF;
	(pc) =	sbr.abs _section_cstart, $3  }
0xc2: {  	[dreg:$0x1] =	wrdreg $0xFFFFFFFF  }
0xc3: {  	_ =	task.clear_ibuf [dreg:s7], $0x2FFFF;
	_ =	strace $0x9FFFFFFF  }
0xc4: {  	(tm) =	ssettm $0x7FFFFFFF  }
0xc5: {  	_ =	shalt  }
tec
execute0_lowered:
.L_overlay_start_1:
0x0: {  	(tag) =	ssettag $0x1  }
0x1: {  	s6 =	rddreg [dreg:$0x0]  }
0x2: {  	s12 =	rddreg [dreg:$0x1]  }
0x3: {  	s2 =	rddreg [dreg:$0x2]  }
0x4: {  	s0 =	srdreg.scid;
	s3 =	rddreg [dreg:$0x3]  }
0x5: {  	s4 =	simm.s32 $0x0;
	s18 =	simm.s32 $0x2;
	s19 =	simm.s32 $0x1D280  }
0x6: {  	s20 =	simm.s32 $0x14280;
	s21 =	simm.s32 $0x16A80;
	s22 =	simm.s32 $0x80  }
0x7: {  	s23 =	simm.s32 $0x1D500;
	s24 =	simm.s32 $0x1;
	s7 =	sand.u32 $0x1, s0  }
0x8: {  	s25 =	simm.s32 $0x20;
	s0 =	stileid.u32;
	s8 =	smul.u32 $0x140000, s7  }
0x9: {  	s26 =	simm.s32 $0x10;
	[smem:$0x7FF] =	sst s4;
	s9 =	smul.u32 $0x14000, s0  }
0xa: {  	s5 =	sadd.s32 $0x1000, s6;
	s1 =	sshll.u32 s7, $0x4;
	s10 =	smul.u32 $0x500, s0  }
0xb: {  	_ =	strace $0x80000047;
	s28 =	sshll.u32 s7, $0x7;
	s29 =	smul.u32 $0x50000, s0  }
0xc: {  	s7 =	ssub.s32 $0x2, s7;
	s11 =	smul.u32 $0xA00, s0;
	s1 =	sor.u32 s0, s1  }
0xd: {  	s31 =	sshrl.u32 s7, $0x1;
	s13 =	smul.u32 $0x500, s1;
	s8 =	sadd.s32 s9, s8  }
0xe: {  	s9 =	sor.u32 s28, s10;
	s10 =	sshrl.u32 s29, $0x2;
	s17 =	ssub.s32 s7, s31  }
0xf: {  	s11 =	sshrl.u32 s11, $0x2;
	s8 =	sshrl.u32 s8, $0x3;
	s30 =	sshrl.u32 s9, $0x3  }
0x10: {  	s11 =	sadd.s32 s11, s3;
	s14 =	sadd.s32 s13, s6;
	s15 =	sadd.s32 s8, s6  }
0x11: {  	s16 =	sadd.s32 s30, s6;
	s6 =	sadd.s32 s10, s2;
	s12 =	sadd.s32 s12, s13  }
0x12: {  	s7 =	sadd.s32 $0x4000, s6;
	s8 =	sadd.s32 $0x8000, s6;
	s9 =	sadd.s32 $0xC000, s6  }
0x13: {  	s10 =	sadd.s32 $0x10000, s6;
	s13 =	sadd.s32 $0x4F200, s14;
	s14 =	sadd.s32 $0x59200, s15  }
0x14: {  	v0 =	vimm.f32 $0.0e+00;
	v1 =	vimm.f32 $1.000000000e+00;
	s15 =	sadd.s32 $0xA9200, s16;
	s16 =	smax.u32 s17, $0x1;
	s17 =	simm.s32 $0x19280  }
.LBB2_1:
0x15: {  	s28 =	simm.s32 $0x0;
	s29 =	simm.s32 $0x200  }
.LBB2_2:
0x16: {  	p0 =	sne.s32 s29, $0xFE00;
	[tilespmem:s28+$0x192F0] =	vst v0  }
0x17: {  	[tilespmem:s28+$0x19280] =	vst v0  }
0x18: {  	[tilespmem:s28+$0x19290] =	vst v0  }
.Ltmp0:
0x19: {  	[tilespmem:s28+$0x192A0] =	vst v0;
	(pc) =	sbr.rel @p0 .LBB2_2-.Ltmp0, $4  }
0x1a: {  	[tilespmem:s28+$0x192B0] =	vst v0  }
0x1b: {  	[tilespmem:s28+$0x192C0] =	vst v0  }
0x1c: {  	[tilespmem:s28+$0x192D0] =	vst v0  }
0x1d: {  	[tilespmem:s28+$0x192E0] =	vst v0;
	s28 =	sshra.s32 s29, $0x2;
	s29 =	sadd.s32 $0x200, s29  }
0x1e: {  	[tilespmem:s28+$0x192F0] =	vst v0  }
0x1f: {  	[tilespmem:s28+$0x19280] =	vst v0  }
0x20: {  	[tilespmem:s28+$0x19290] =	vst v0  }
0x21: {  	[tilespmem:s28+$0x192A0] =	vst v0  }
0x22: {  	[tilespmem:s28+$0x192B0] =	vst v0  }
0x23: {  	[tilespmem:s28+$0x192C0] =	vst v0  }
0x24: {  	[tilespmem:s28+$0x192D0] =	vst v0  }
0x25: {  	[tilespmem:s28+$0x192E0] =	vst v0  }
0x26: {  	[tilespmem:$0x1D280] =	vst v0  }
0x27: {  	[tilespmem:$0x1D290] =	vst v0  }
0x28: {  	[tilespmem:$0x1D2A0] =	vst v0  }
0x29: {  	[tilespmem:$0x1D2B0] =	vst v0  }
0x2a: {  	[tilespmem:$0x1D2C0] =	vst v0  }
0x2b: {  	[tilespmem:$0x1D2D0] =	vst v0  }
0x2c: {  	[tilespmem:$0x1D2E0] =	vst v0  }
0x2d: {  	[tilespmem:$0x1D2F0] =	vst v0  }
0x2e: {  	[tilespmem:$0x1D300] =	vst v0  }
0x2f: {  	[tilespmem:$0x1D310] =	vst v0  }
0x30: {  	[tilespmem:$0x1D320] =	vst v0  }
0x31: {  	[tilespmem:$0x1D330] =	vst v0  }
0x32: {  	[tilespmem:$0x1D340] =	vst v0  }
0x33: {  	[tilespmem:$0x1D350] =	vst v0  }
0x34: {  	[tilespmem:$0x1D360] =	vst v0  }
0x35: {  	[tilespmem:$0x1D370] =	vst v0  }
0x36: {  	[tilespmem:$0x1D380] =	vst v0  }
0x37: {  	[tilespmem:$0x1D390] =	vst v0  }
0x38: {  	[tilespmem:$0x1D3A0] =	vst v0  }
0x39: {  	[tilespmem:$0x1D3B0] =	vst v0  }
0x3a: {  	[tilespmem:$0x1D3C0] =	vst v0  }
0x3b: {  	[tilespmem:$0x1D3D0] =	vst v0  }
0x3c: {  	[tilespmem:$0x1D3E0] =	vst v0  }
0x3d: {  	[tilespmem:$0x1D3F0] =	vst v0  }
0x3e: {  	[tilespmem:$0x1D400] =	vst v0  }
0x3f: {  	[tilespmem:$0x1D410] =	vst v0  }
0x40: {  	[tilespmem:$0x1D420] =	vst v0  }
0x41: {  	[tilespmem:$0x1D430] =	vst v0  }
0x42: {  	[tilespmem:$0x1D440] =	vst v0  }
0x43: {  	[tilespmem:$0x1D450] =	vst v0  }
0x44: {  	[tilespmem:$0x1D460] =	vst v0  }
0x45: {  	[tilespmem:$0x1D470] =	vst v0  }
0x46: {  	[tilespmem:$0x1D480] =	vst v0  }
0x47: {  	[tilespmem:$0x1D490] =	vst v0  }
0x48: {  	[tilespmem:$0x1D4A0] =	vst v0  }
0x49: {  	[tilespmem:$0x1D4B0] =	vst v0  }
0x4a: {  	[tilespmem:$0x1D4C0] =	vst v0  }
0x4b: {  	[tilespmem:$0x1D4D0] =	vst v0  }
0x4c: {  	[tilespmem:$0x1D4E0] =	vst v0  }
0x4d: {  	[tilespmem:$0x1D4F0] =	vst v0  }
0x4e: {  	[tilespmem:$0x1D500] =	vst v1  }
0x4f: {  	[tilespmem:$0x1D510] =	vst v1  }
0x50: {  	[tilespmem:$0x1D520] =	vst v1  }
0x51: {  	[tilespmem:$0x1D530] =	vst v1  }
0x52: {  	[tilespmem:$0x1D540] =	vst v1  }
0x53: {  	[tilespmem:$0x1D550] =	vst v1  }
0x54: {  	[tilespmem:$0x1D560] =	vst v1  }
0x55: {  	[tilespmem:$0x1D570] =	vst v1  }
0x56: {  	[spmem:s6] =	stream.linear.scatter [tilespmem:s17], [sflag:$0x2], $0x4000, $0x38;
	[tilespmem:$0x1D580] =	vst v63  }
0x57: {  	_ =	swait.ge [sflag:s18], $0x4000  }
0x58: {  	[sflag:s18] =	ssyncset.done $0x0  }
0x59: {  	[sflag:s18] =	ssyncadd.s32 $0xFFFFC000  }
0x5a: {  	[spmem:s7] =	stream.linear.scatter [tilespmem:s17], [sflag:$0x2], $0x4000, $0x38;
	[tilespmem:$0x1D580] =	vst v63  }
0x5b: {  	_ =	swait.ge [sflag:s18], $0x4000  }
0x5c: {  	[sflag:s18] =	ssyncset.done $0x0  }
0x5d: {  	[sflag:s18] =	ssyncadd.s32 $0xFFFFC000  }
0x5e: {  	[spmem:s8] =	stream.linear.scatter [tilespmem:s17], [sflag:$0x2], $0x4000, $0x38;
	[tilespmem:$0x1D580] =	vst v63  }
0x5f: {  	_ =	swait.ge [sflag:s18], $0x4000  }
0x60: {  	[sflag:s18] =	ssyncset.done $0x0  }
0x61: {  	[sflag:s18] =	ssyncadd.s32 $0xFFFFC000  }
0x62: {  	[spmem:s9] =	stream.linear.scatter [tilespmem:s17], [sflag:$0x2], $0x4000, $0x38;
	[tilespmem:$0x1D580] =	vst v63  }
0x63: {  	_ =	swait.ge [sflag:s18], $0x4000  }
0x64: {  	[sflag:s18] =	ssyncset.done $0x0  }
0x65: {  	[sflag:s18] =	ssyncadd.s32 $0xFFFFC000  }
0x66: {  	[spmem:s10] =	stream.linear.scatter [tilespmem:s17], [sflag:$0x2], $0x4000, $0x38;
	[tilespmem:$0x1D580] =	vst v63  }
0x67: {  	_ =	swait.ge [sflag:s18], $0x4000  }
0x68: {  	[sflag:s18] =	ssyncset.done $0x0  }
0x69: {  	[sflag:s18] =	ssyncadd.s32 $0xFFFFC000  }
0x6a: {  	[spmem:s11] =	stream.linear.scatter [tilespmem:s19], [sflag:$0x2], $0x280, $0x38;
	[tilespmem:$0x1D580] =	vst v63  }
0x6b: {  	_ =	swait.ge [sflag:s18], $0x280  }
0x6c: {  	[sflag:s18] =	ssyncset.done $0x0  }
0x6d: {  	s28 =	simm.s32 $0x0;
	[sflag:s18] =	ssyncadd.s32 $0xFFFFFD80  }
0x6e: {  	[tilespmem:s20], [sflag:$0x2] =	stream.linear.gather [hbm4b:s12+s28], $0x2780, $0x38;
	[tilespmem:$0x1D580] =	vst v63  }
0x6f: {  	_ =	swait.ge [sflag:s18], $0x2780  }
0x70: {  	[sflag:s18] =	ssyncset.done $0x0  }
0x71: {  	[sflag:s18] =	ssyncadd.s32 $0xFFFFD880  }
0x72: {  	[tilespmem:s21], [sflag:$0x2] =	stream.linear.gather [hbm4b:s13+s28], $0x2780, $0x38;
	[tilespmem:$0x1D580] =	vst v63  }
0x73: {  	_ =	swait.ge [sflag:s18], $0x2780  }
0x74: {  	[sflag:s18] =	ssyncset.done $0x0  }
0x75: {  	[sflag:s18] =	ssyncadd.s32 $0xFFFFD880  }
0x76: {  	s28 =	simm.s32 $0x16A80;
	[bflag:$0x0] =	sbarrier.arrive $0xFFFF  }
0x77: {  	[tilespmem:s17], [sflag:$0x1] =	stream.indirect.gather [hbm4b:s5+s22], $0x80, s28, s22, $0xb8;
	[tilespmem:$0x1D580] =	vst v63  }
0x78: {  	s28 =	simm.s32 $0x14280  }
0x79: {  	[spmem:s3] =	stream.indirect.scatter.add.f32 [tilespmem:s23], [sflag:$0x2], $0x1, s28, s22, $0xb8;
	[tilespmem:$0x1D580] =	vst v63  }
0x7a: {  	_ =	swait.ge [sflag:s18], $0x80  }
0x7b: {  	[sflag:s18] =	ssyncset.done $0x0  }
0x7c: {  	[sflag:s18] =	ssyncadd.s32 $0xFFFFFF80  }
0x7d: {  	_ =	swait.ge [sflag:s24], $0x4000  }
0x7e: {  	[sflag:s24] =	ssyncset.done $0x0  }
0x7f: {  	[sflag:s24] =	ssyncadd.s32 $0xFFFFC000  }
0x80: {  	[spmem:s2] =	stream.indirect.scatter.add.f32 [tilespmem:s17], [sflag:$0x2], $0x80, s28, s22, $0xb8;
	[tilespmem:$0x1D580] =	vst v63  }
0x81: {  	_ =	swait.ge [sflag:s18], $0x4000  }
0x82: {  	s29 =	simm.s32 $0x400;
	s28 =	simm.s32 $0x80;
	[sflag:s18] =	ssyncset.done $0x0  }
.LBB2_4:
0x83: {  	s30 =	sadd.s32 $0x16A80, s28  }
0x84: {  	[sflag:s18] =	ssyncadd.s32 $0xFFFFC000;
	s31 =	smov.u32 s29;
	s1 =	sadd.s32 $0x200, s29  }
0x85: {  	[tilespmem:s17], [sflag:$0x1] =	stream.indirect.gather [hbm4b:s5+s22], $0x80, s30, s22, $0xb8;
	[tilespmem:$0x1D580] =	vst v63  }
0x86: {  	p0 =	sne.s32 s29, $0x9C00;
	s28 =	sadd.s32 $0x14280, s28  }
0x87: {  	[spmem:s3] =	stream.indirect.scatter.add.f32 [tilespmem:s23], [sflag:$0x2], $0x1, s28, s22, $0xb8;
	[tilespmem:$0x1D580] =	vst v63  }
0x88: {  	_ =	swait.ge [sflag:s18], $0x80  }
0x89: {  	[sflag:s18] =	ssyncset.done $0x0  }
0x8a: {  	[sflag:s18] =	ssyncadd.s32 $0xFFFFFF80  }
0x8b: {  	_ =	swait.ge [sflag:s24], $0x4000  }
.Ltmp1:
0x8c: {  	[sflag:s24] =	ssyncset.done $0x0;
	(pc) =	sbr.rel @p0 .LBB2_4-.Ltmp1, $4  }
0x8d: {  	[sflag:s24] =	ssyncadd.s32 $0xFFFFC000  }
0x8e: {  	[spmem:s2] =	stream.indirect.scatter.add.f32 [tilespmem:s17], [sflag:$0x2], $0x80, s28, s22, $0xb8;
	[tilespmem:$0x1D580] =	vst v63  }
0x8f: {  	_ =	swait.ge [sflag:s18], $0x4000  }
0x90: {  	s29 =	smov.u32 s1;
	s28 =	sshra.s32 s31, $0x2;
	[sflag:s18] =	ssyncset.done $0x0  }
0x91: {  	s1 =	sadd.s32 $0x16A80, s28;
	[sflag:s18] =	ssyncadd.s32 $0xFFFFC000  }
0x92: {  	[tilespmem:s17], [sflag:$0x1] =	stream.indirect.gather [hbm4b:s5+s22], $0x80, s1, s22, $0xb8;
	[tilespmem:$0x1D580] =	vst v63  }
0x93: {  	s28 =	sadd.s32 $0x14280, s28  }
0x94: {  	[spmem:s3] =	stream.indirect.scatter.add.f32 [tilespmem:s23], [sflag:$0x2], $0x1, s28, s22, $0xb8;
	[tilespmem:$0x1D580] =	vst v63  }
0x95: {  	_ =	swait.ge [sflag:s18], $0x80  }
0x96: {  	[sflag:s18] =	ssyncset.done $0x0  }
0x97: {  	[sflag:s18] =	ssyncadd.s32 $0xFFFFFF80  }
0x98: {  	_ =	swait.ge [sflag:s24], $0x4000  }
0x99: {  	[sflag:s24] =	ssyncset.done $0x0  }
0x9a: {  	[sflag:s24] =	ssyncadd.s32 $0xFFFFC000  }
0x9b: {  	[spmem:s2] =	stream.indirect.scatter.add.f32 [tilespmem:s17], [sflag:$0x2], $0x80, s28, s22, $0xb8;
	[tilespmem:$0x1D580] =	vst v63  }
0x9c: {  	_ =	swait.ge [sflag:s18], $0x4000  }
0x9d: {  	[sflag:s18] =	ssyncset.done $0x0  }
0x9e: {  	s29 =	sshll.u32 s0, $0x6;
	[sflag:s18] =	ssyncadd.s32 $0xFFFFC000  }
0x9f: {  	s30 =	sshrl.u32 s6, $0x3;
	s1 =	sor.u32 $0x1C02, s29;
	[bflag:$0x0] =	sbarrier.arrive $0xFFFF  }
0xa0: {  	[hbm:s14], [sflag:s1] =	dma.local [spmem:s30], $0x2800  }
0xa1: {  	s4 =	sadd.s32 $0x1, s4;
	_ =	swait.ge [sflag:s18], $0x2800  }
0xa2: {  	p0 =	sne.s32 s4, s16;
	[sflag:s18] =	ssyncset.done $0x0  }
.Ltmp2:
0xa3: {  	s31 =	sshrl.u32 s11, $0x3;
	[sflag:s18] =	ssyncadd.s32 $0xFFFFD800;
	(pc) =	sbr.rel @p0 .LBB2_1-.Ltmp2, $4  }
0xa4: {  	[hbm:s15@s25], [sflag:s1] =	dma.strided [spmem:s31@s26], $0x50, s24, $0x10   }
0xa5: {  	_ =	swait.ge [sflag:s18], $0x50  }
0xa6: {  	[sflag:s18] =	ssyncset.done $0x0  }
0xa7: {  	[sflag:s18] =	ssyncadd.s32 $0xFFFFFFB0  }
0xa8: {  	_ =	sfence.sel $0x180000  }
0xa9: {  	[bflag:$0x0] =	sbarrier.arrive $0xFFFF  }
0xaa: {  	_ =	strace $0x90000047  }
0xab: {  	[bflag:$0x2] =	sbarrier.arrive $0xFFFF  }
0xac: {  	p0 =	sne.s32 s0, $0x0;
	s0 =	rddreg [dreg:$0x4]  }
0xad: {  	s0 =	sadd.s32 @!p0 $0x100000, s0  }
0xae: {  	[sflag:s0] =	ssyncadd.tile.s32 @!p0 $0x1;
	_ =	shalt  }
.Lfunc_end2:
_tile_overlayer_lowered:
.L_overlay_start_2:
0xaf: {  	(tag) =	ssettag $0x2  }
0xb0: {  	s0 =	rddreg [dreg:$0x0];
	s2 =	stileid.u32  }
0xb1: {  	s1 =	rddreg [dreg:$0x1];
	p0 =	sne.s32 s2, $0x0  }
0xb2: {  	s3 =	rddreg [dreg:$0x2];
	[bflag:$0x3] =	sbarrier.arrive $0xFFFF;
	s2 =	simm.s32 @!p0 $0x1C02  }
0xb3: {  	[timem:s3], [sflag:s2] =	dma.local @!p0 [hbm:s0], s1  }
0xb4: {  	s0 =	simm.s32 @!p0 $0x2  }
0xb5: {  	_ =	swait.ge @!p0 [sflag:s0], s1  }
0xb6: {  	s1 =	ssub.s32 @!p0 $0x0, s1;
	[sflag:s0] =	ssyncset.done @!p0 $0x0  }
0xb7: {  	[sflag:s0] =	ssyncadd.s32 @!p0 s1  }
0xb8: {  	[bflag:$0x3] =	sbarrier.arrive $0xFFFF  }
0xb9: {  	_ =	shalt  }

</sc_bundles>
